<compile_context>
chip_gen: v7x
topology: tpu7x:2x2x1
jax: 0.10.2.dev20260603
libtpu: 0.0.44.dev20260713+nightly
codegen_flags: <defaults>
</compile_context>

<pallas_src>
import jax
import jax.numpy as jnp
from jax import lax
from jax.experimental import pallas as pl
from jax.experimental.pallas import tpu as pltpu
from jax.experimental.pallas import tpu_sc as plsc

B = 16384
EMB = 32
K = 4
KD = EMB * K
NROWS = 1000000
PACK = KD // EMB
BROWS = NROWS // KD + 1

NC = 2
NS = 16
NW = NC * NS
BPW = B // NW
IC = 128
NCHUNK = BPW // IC


def _sc_gather_body(uidq_hbm, iidq_hbm, uemb_hbm, iemb_hbm, ubias_hbm, ibias_hbm,
                    ue_out, ie_out, ub_out, ib_out,
                    uidq_v, iidq_v, bidx_v, rows_v, sem):
    wid = lax.axis_index("s") * NC + lax.axis_index("c")
    base = wid * BPW
    pltpu.sync_copy(uidq_hbm, uidq_v)
    pltpu.sync_copy(iidq_hbm, iidq_v)
    for tbl, idx_v, out in ((uemb_hbm, uidq_v, ue_out), (iemb_hbm, iidq_v, ie_out)):
        copies = []
        for j in range(NCHUNK):
            copies.append(pltpu.make_async_copy(
                tbl.at[idx_v.at[wid * NCHUNK + j]],
                rows_v.at[pl.ds(j * IC, IC)], sem))
        for c in copies:
            c.start()
        for c in copies:
            c.wait()
        pltpu.sync_copy(rows_v, out.at[pl.ds(base, BPW)])
    for idx_v, k, tbl, out in ((uidq_v, 0, ubias_hbm, ub_out),
                               (iidq_v, 1, ibias_hbm, ib_out)):
        for j in range(NCHUNK):
            for t in range(IC // 16):
                q = idx_v[wid * NCHUNK + j, pl.ds(t * 16, 16)]
                bidx_v[j, pl.ds(t * 16, 16)] = jnp.right_shift(q, 5)
        copies = []
        for j in range(NCHUNK):
            copies.append(pltpu.make_async_copy(
                tbl.at[bidx_v.at[j]],
                rows_v.at[pl.ds(j * IC, IC)], sem))
        for c in copies:
            c.start()
        for c in copies:
            c.wait()
        pltpu.sync_copy(rows_v, out.at[pl.ds(base, BPW)])


def _sc_gather(uidq, iidq, uemb128, iemb128, ubias128, ibias128):
    mesh = plsc.VectorSubcoreMesh(core_axis_name="c", subcore_axis_name="s",
                                  num_cores=NC, num_subcores=NS)
    f = pl.kernel(
        _sc_gather_body,
        out_type=(
            jax.ShapeDtypeStruct((B, KD), jnp.float32),
            jax.ShapeDtypeStruct((B, KD), jnp.float32),
            jax.ShapeDtypeStruct((B, KD), jnp.float32),
            jax.ShapeDtypeStruct((B, KD), jnp.float32),
        ),
        mesh=mesh,
        compiler_params=pltpu.CompilerParams(use_tc_tiling_on_sc=True),
        scratch_types=[
            pltpu.VMEM((B // IC, IC), jnp.int32),
            pltpu.VMEM((B // IC, IC), jnp.int32),
            pltpu.VMEM((NCHUNK, IC), jnp.int32),
            pltpu.VMEM((BPW, KD), jnp.float32),
            pltpu.SemaphoreType.DMA,
        ],
    )
    return f(uidq, iidq, uemb128, iemb128, ubias128, ibias128)


BLK = 2048


def _tc_mix_body(ue4_ref, ie4_ref, uo_ref, io_ref, ul_ref, il_ref,
                 ub4_ref, ib4_ref, wt_ref, bt_ref, wa_ref, ba_ref, out_ref):
    uo = uo_ref[...]
    io = io_ref[...]
    ue4 = ue4_ref[...]
    ie4 = ie4_ref[...]
    ue = jnp.zeros((BLK, EMB), jnp.float32)
    ie = jnp.zeros((BLK, EMB), jnp.float32)
    for o in range(PACK):
        ue = ue + jnp.where(uo == o, ue4[:, o * EMB:(o + 1) * EMB], 0.0)
        ie = ie + jnp.where(io == o, ie4[:, o * EMB:(o + 1) * EMB], 0.0)
    lane = lax.broadcasted_iota(jnp.int32, (BLK, KD), 1)
    ub = jnp.sum(jnp.where(lane == ul_ref[...], ub4_ref[...], 0.0),
                 axis=1, keepdims=True)
    ib = jnp.sum(jnp.where(lane == il_ref[...], ib4_ref[...], 0.0),
                 axis=1, keepdims=True)
    t = jnp.dot(ue, wt_ref[...], preferred_element_type=jnp.float32) + bt_ref[...]
    a = jnp.dot(ue, wa_ref[...], preferred_element_type=jnp.float32) + ba_ref[...]
    ier = jnp.concatenate([ie, ie, ie, ie], axis=1)
    q = t * ier
    l = a * ier
    ri = lax.broadcasted_iota(jnp.int32, (KD, KD), 0) // EMB
    ci = lax.broadcasted_iota(jnp.int32, (KD, KD), 1) // EMB
    s = (ri == ci).astype(jnp.float32)
    z = jnp.dot(l, s, preferred_element_type=jnp.float32)
    e = jnp.exp(z)
    denom = jnp.sum(e, axis=1, keepdims=True)
    num = jnp.sum(e * q, axis=1, keepdims=True)
    out_ref[...] = num * float(EMB) / denom + ub + ib


def _tc_mix(ue4, ie4, uo, io, ul, il, ub4, ib4, Wt, bt, Wa, ba):
    grid = (B // BLK,)
    big = pl.BlockSpec((BLK, KD), lambda i: (i, 0))
    col = pl.BlockSpec((BLK, 1), lambda i: (i, 0))
    w = pl.BlockSpec((EMB, KD), lambda i: (0, 0))
    bias = pl.BlockSpec((1, KD), lambda i: (0, 0))
    return pl.pallas_call(
        _tc_mix_body,
        grid=grid,
        in_specs=[big, big, col, col, col, col, big, big, w, bias, w, bias],
        out_specs=col,
        out_shape=jax.ShapeDtypeStruct((B, 1), jnp.float32),
    )(ue4, ie4, uo, io, ul, il, ub4, ib4, Wt, bt, Wa, ba)


@jax.jit
def kernel(user_ids, item_ids, user_emb, item_emb, user_bias, item_bias,
           Wt, bt, Wa, ba):
    uids = user_ids.astype(jnp.int32)
    iids = item_ids.astype(jnp.int32)
    uidq = (uids // PACK).reshape(B // IC, IC)
    iidq = (iids // PACK).reshape(B // IC, IC)
    uemb128 = user_emb.reshape(NROWS * EMB // KD, KD)
    iemb128 = item_emb.reshape(NROWS * EMB // KD, KD)
    ubias128 = jnp.pad(user_bias.reshape(-1), (0, BROWS * KD - NROWS)).reshape(BROWS, KD)
    ibias128 = jnp.pad(item_bias.reshape(-1), (0, BROWS * KD - NROWS)).reshape(BROWS, KD)
    ue4, ie4, ub4, ib4 = _sc_gather(uidq, iidq, uemb128, iemb128,
                                    ubias128, ibias128)
    uo = (uids % PACK).reshape(B, 1)
    io = (iids % PACK).reshape(B, 1)
    ul = (uids % KD).reshape(B, 1)
    il = (iids % KD).reshape(B, 1)
    out = _tc_mix(ue4, ie4, uo, io, ul, il, ub4, ib4,
                  Wt, bt.reshape(1, KD), Wa, ba.reshape(1, KD))
    return out.reshape(-1)

# --- scband reference (transcript-rebuilt; emitter-appended) ---
"""Pipeline reference for scband-mixture-net-2937757631190 (READ-ONLY COPY).

The authoritative reference and input builder live on the scoring server;
editing this copy changes nothing except your own understanding.
"""

import jax, jax.numpy as jnp
import numpy as np

NUM_USERS = 1000000
NUM_ITEMS = 1000000
EMB = 32
K = 4
B = 16384


def setup_inputs(seed: int = 0) -> dict:
    key = jax.random.key(seed)
    ks = jax.random.split(key, 8)
    user_ids = jax.random.randint(ks[0], (B,), 0, NUM_USERS)
    item_ids = jax.random.randint(ks[1], (B,), 0, NUM_ITEMS)
    # ScaledEmbedding: normal init scaled down by embedding_dim
    user_emb = jax.random.normal(ks[2], (NUM_USERS, EMB), dtype=jnp.float32) / EMB
    item_emb = jax.random.normal(ks[3], (NUM_ITEMS, EMB), dtype=jnp.float32) / EMB
    # ZeroEmbedding: zero-initialized bias tables
    user_bias = jnp.zeros((NUM_USERS, 1), dtype=jnp.float32)
    item_bias = jnp.zeros((NUM_ITEMS, 1), dtype=jnp.float32)
    Wt = jax.random.normal(ks[4], (EMB, EMB * K), dtype=jnp.float32) * (1.0 / np.sqrt(EMB))
    bt = jnp.zeros((EMB * K,), dtype=jnp.float32)
    Wa = jax.random.normal(ks[5], (EMB, EMB * K), dtype=jnp.float32) * (1.0 / np.sqrt(EMB))
    ba = jnp.zeros((EMB * K,), dtype=jnp.float32)
    return {
        "user_ids": user_ids,
        "item_ids": item_ids,
        "user_emb": user_emb,
        "item_emb": item_emb,
        "user_bias": user_bias,
        "item_bias": item_bias,
        "Wt": Wt,
        "bt": bt,
        "Wa": Wa,
        "ba": ba,
    }


def _softmax(x, axis):
    numerator = jnp.exp(x)
    denominator = numerator.sum(axis, keepdims=True)
    return numerator / denominator


def reference(user_ids, item_ids, user_emb, item_emb, user_bias, item_bias, Wt, bt, Wa, ba):
    ue = jnp.take(user_emb, user_ids, axis=0)            # [B, EMB]
    ie = jnp.take(item_emb, item_ids, axis=0)            # [B, EMB]
    bsz, d = ie.shape
    user_tastes = (ue @ Wt + bt).reshape(bsz, K, d)      # [B, K, EMB]
    user_attention = (ue @ Wa + ba).reshape(bsz, K, d)   # [B, K, EMB]
    ie_exp = jnp.broadcast_to(ie[:, None, :], user_attention.shape)
    attention = _softmax((user_attention * ie_exp).sum(2), 1)  # [B, K]
    preference = (user_tastes * ie_exp).sum(2)                 # [B, K]
    weighted_preference = (attention * preference).sum(1)      # [B]
    ub = jnp.take(user_bias, user_ids, axis=0).squeeze(-1)     # [B]
    ib = jnp.take(item_bias, item_ids, axis=0).squeeze(-1)     # [B]
    return weighted_preference + ub + ib

if __name__ == "__main__":
    import jax
    _d = setup_inputs()
    print(jax.jit(kernel)(*tuple(_d.values())))

</pallas_src>

<mosaic_0001>
#map = affine_map<(d0, d1) -> (0, 0)>
module attributes {stable_mosaic.version = 14 : i64} {
  func.func @_sc_gather_body(%arg0: i32, %arg1: i32, %arg2: memref<128x128xi32, #tpu.memory_space<hbm>>, %arg3: memref<128x128xi32, #tpu.memory_space<hbm>>, %arg4: memref<250000x128xf32, #tpu.memory_space<hbm>>, %arg5: memref<250000x128xf32, #tpu.memory_space<hbm>>, %arg6: memref<7813x128xf32, #tpu.memory_space<hbm>>, %arg7: memref<7813x128xf32, #tpu.memory_space<hbm>>, %arg8: memref<16384x128xf32, #tpu.memory_space<hbm>>, %arg9: memref<16384x128xf32, #tpu.memory_space<hbm>>, %arg10: memref<16384x128xf32, #tpu.memory_space<hbm>>, %arg11: memref<16384x128xf32, #tpu.memory_space<hbm>>, %arg12: memref<128x128xi32, #tpu.memory_space<vmem>>, %arg13: memref<128x128xi32, #tpu.memory_space<vmem>>, %arg14: memref<4x128xi32, #tpu.memory_space<vmem>>, %arg15: memref<512x128xf32, #tpu.memory_space<vmem>>, %arg16: memref<!tpu.dma_semaphore, #tpu.memory_space<semaphore_mem>>) attributes {dimension_semantics = [#tpu.dimension_semantics<core_parallel>, #tpu.dimension_semantics<subcore_parallel>], iteration_bounds = array<i64: 2, 16>, scalar_prefetch = 0 : i64, scratch_operands = 5 : i64, tpu.core_type = #tpu.core_type<sc_vector_subcore>, window_params = [{transform_indices = #map}, {transform_indices = #map}, {transform_indices = #map}, {transform_indices = #map}, {transform_indices = #map}, {transform_indices = #map}, {transform_indices = #map}, {transform_indices = #map}, {transform_indices = #map}, {transform_indices = #map}]} {
    %mul3A = arith.constant 2 : i32
    %mul3A_0 = arith.muli %arg1, %mul3A : i32
    %add3A = arith.addi %mul3A_0, %arg0 : i32
    %mul3A_1 = arith.constant 512 : i32
    %mul3A_2 = arith.muli %add3A, %mul3A_1 : i32
    "tpu.region"() ({
      %run_scoped3A = tpu.sem_alloc : memref<!tpu.dma_semaphore, #tpu.memory_space<semaphore_mem>>
      tpu.enqueue_dma source(%arg2 : memref<128x128xi32, #tpu.memory_space<hbm>>) target(%arg12 : memref<128x128xi32, #tpu.memory_space<vmem>>) target_semaphore(%run_scoped3A : memref<!tpu.dma_semaphore, #tpu.memory_space<semaphore_mem>>)
      tpu.wait_dma2 semaphore(%run_scoped3A : memref<!tpu.dma_semaphore, #tpu.memory_space<semaphore_mem>>) src(%arg2 : memref<128x128xi32, #tpu.memory_space<hbm>>) dst(%arg12 : memref<128x128xi32, #tpu.memory_space<vmem>>)
      tpu.yield
    }) : () -> ()
    "tpu.region"() ({
      %run_scoped3A = tpu.sem_alloc : memref<!tpu.dma_semaphore, #tpu.memory_space<semaphore_mem>>
      tpu.enqueue_dma source(%arg3 : memref<128x128xi32, #tpu.memory_space<hbm>>) target(%arg13 : memref<128x128xi32, #tpu.memory_space<vmem>>) target_semaphore(%run_scoped3A : memref<!tpu.dma_semaphore, #tpu.memory_space<semaphore_mem>>)
      tpu.wait_dma2 semaphore(%run_scoped3A : memref<!tpu.dma_semaphore, #tpu.memory_space<semaphore_mem>>) src(%arg3 : memref<128x128xi32, #tpu.memory_space<hbm>>) dst(%arg13 : memref<128x128xi32, #tpu.memory_space<vmem>>)
      tpu.yield
    }) : () -> ()
    %mul3A_3 = arith.constant 4 : i32
    %mul3A_4 = arith.muli %add3A, %mul3A_3 : i32
    %add3A_5 = arith.constant 0 : i32
    %add3A_6 = arith.addi %mul3A_4, %add3A_5 : i32
    %mul3A_7 = arith.constant 4 : i32
    %mul3A_8 = arith.muli %add3A, %mul3A_7 : i32
    %add3A_9 = arith.constant 1 : i32
    %add3A_10 = arith.addi %mul3A_8, %add3A_9 : i32
    %mul3A_11 = arith.constant 4 : i32
    %mul3A_12 = arith.muli %add3A, %mul3A_11 : i32
    %add3A_13 = arith.constant 2 : i32
    %add3A_14 = arith.addi %mul3A_12, %add3A_13 : i32
    %mul3A_15 = arith.constant 4 : i32
    %mul3A_16 = arith.muli %add3A, %mul3A_15 : i32
    %add3A_17 = arith.constant 3 : i32
    %add3A_18 = arith.addi %mul3A_16, %add3A_17 : i32
    %dma_start3A = arith.constant 0 : i32
    %dma_start3A_19 = arith.constant 0 : i32
    %dma_start3A_20 = tpu.memref_slice %arg15[%dma_start3A, %dma_start3A_19] : memref<512x128xf32, #tpu.memory_space<vmem>> -> memref<128x128xf32, #tpu.memory_space<vmem>>
    %dma_start3A_21 = arith.constant 0 : i32
    %dma_start3A_22 = tpu.memref_slice %arg12[%add3A_6, %dma_start3A_21] : memref<128x128xi32, #tpu.memory_space<vmem>> -> memref<1x128xi32, #tpu.memory_space<vmem>>
    %dma_start3A_23 = tpu.memref_squeeze %dma_start3A_22 : memref<1x128xi32, #tpu.memory_space<vmem>> -> memref<128xi32, #tpu.memory_space<vmem>>
    %dma_start3A_24 = arith.constant 0 : i32
    %dma_start3A_25 = arith.constant 0 : i32
    %dma_start3A_26 = tpu.memref_slice %arg4[%dma_start3A_24, %dma_start3A_25] : memref<250000x128xf32, #tpu.memory_space<hbm>> -> memref<250000x128xf32, #tpu.memory_space<hbm>>
    tpu.enqueue_indirect_dma source(%dma_start3A_26 : memref<250000x128xf32, #tpu.memory_space<hbm>>) target(%dma_start3A_20 : memref<128x128xf32, #tpu.memory_space<vmem>>) offsets(%dma_start3A_23 : memref<128xi32, #tpu.memory_space<vmem>>) semaphore(%arg16 : memref<!tpu.dma_semaphore, #tpu.memory_space<semaphore_mem>>)
    %dma_start3A_27 = arith.constant 128 : i32
    %dma_start3A_28 = arith.constant 0 : i32
    %dma_start3A_29 = tpu.memref_slice %arg15[%dma_start3A_27, %dma_start3A_28] : memref<512x128xf32, #tpu.memory_space<vmem>> -> memref<128x128xf32, #tpu.memory_space<vmem>>
    %dma_start3A_30 = arith.constant 0 : i32
    %dma_start3A_31 = tpu.memref_slice %arg12[%add3A_10, %dma_start3A_30] : memref<128x128xi32, #tpu.memory_space<vmem>> -> memref<1x128xi32, #tpu.memory_space<vmem>>
    %dma_start3A_32 = tpu.memref_squeeze %dma_start3A_31 : memref<1x128xi32, #tpu.memory_space<vmem>> -> memref<128xi32, #tpu.memory_space<vmem>>
    %dma_start3A_33 = arith.constant 0 : i32
    %dma_start3A_34 = arith.constant 0 : i32
    %dma_start3A_35 = tpu.memref_slice %arg4[%dma_start3A_33, %dma_start3A_34] : memref<250000x128xf32, #tpu.memory_space<hbm>> -> memref<250000x128xf32, #tpu.memory_space<hbm>>
    tpu.enqueue_indirect_dma source(%dma_start3A_35 : memref<250000x128xf32, #tpu.memory_space<hbm>>) target(%dma_start3A_29 : memref<128x128xf32, #tpu.memory_space<vmem>>) offsets(%dma_start3A_32 : memref<128xi32, #tpu.memory_space<vmem>>) semaphore(%arg16 : memref<!tpu.dma_semaphore, #tpu.memory_space<semaphore_mem>>)
    %dma_start3A_36 = arith.constant 256 : i32
    %dma_start3A_37 = arith.constant 0 : i32
    %dma_start3A_38 = tpu.memref_slice %arg15[%dma_start3A_36, %dma_start3A_37] : memref<512x128xf32, #tpu.memory_space<vmem>> -> memref<128x128xf32, #tpu.memory_space<vmem>>
    %dma_start3A_39 = arith.constant 0 : i32
    %dma_start3A_40 = tpu.memref_slice %arg12[%add3A_14, %dma_start3A_39] : memref<128x128xi32, #tpu.memory_space<vmem>> -> memref<1x128xi32, #tpu.memory_space<vmem>>
    %dma_start3A_41 = tpu.memref_squeeze %dma_start3A_40 : memref<1x128xi32, #tpu.memory_space<vmem>> -> memref<128xi32, #tpu.memory_space<vmem>>
    %dma_start3A_42 = arith.constant 0 : i32
    %dma_start3A_43 = arith.constant 0 : i32
    %dma_start3A_44 = tpu.memref_slice %arg4[%dma_start3A_42, %dma_start3A_43] : memref<250000x128xf32, #tpu.memory_space<hbm>> -> memref<250000x128xf32, #tpu.memory_space<hbm>>
    tpu.enqueue_indirect_dma source(%dma_start3A_44 : memref<250000x128xf32, #tpu.memory_space<hbm>>) target(%dma_start3A_38 : memref<128x128xf32, #tpu.memory_space<vmem>>) offsets(%dma_start3A_41 : memref<128xi32, #tpu.memory_space<vmem>>) semaphore(%arg16 : memref<!tpu.dma_semaphore, #tpu.memory_space<semaphore_mem>>)
    %dma_start3A_45 = arith.constant 384 : i32
    %dma_start3A_46 = arith.constant 0 : i32
    %dma_start3A_47 = tpu.memref_slice %arg15[%dma_start3A_45, %dma_start3A_46] : memref<512x128xf32, #tpu.memory_space<vmem>> -> memref<128x128xf32, #tpu.memory_space<vmem>>
    %dma_start3A_48 = arith.constant 0 : i32
    %dma_start3A_49 = tpu.memref_slice %arg12[%add3A_18, %dma_start3A_48] : memref<128x128xi32, #tpu.memory_space<vmem>> -> memref<1x128xi32, #tpu.memory_space<vmem>>
    %dma_start3A_50 = tpu.memref_squeeze %dma_start3A_49 : memref<1x128xi32, #tpu.memory_space<vmem>> -> memref<128xi32, #tpu.memory_space<vmem>>
    %dma_start3A_51 = arith.constant 0 : i32
    %dma_start3A_52 = arith.constant 0 : i32
    %dma_start3A_53 = tpu.memref_slice %arg4[%dma_start3A_51, %dma_start3A_52] : memref<250000x128xf32, #tpu.memory_space<hbm>> -> memref<250000x128xf32, #tpu.memory_space<hbm>>
    tpu.enqueue_indirect_dma source(%dma_start3A_53 : memref<250000x128xf32, #tpu.memory_space<hbm>>) target(%dma_start3A_47 : memref<128x128xf32, #tpu.memory_space<vmem>>) offsets(%dma_start3A_50 : memref<128xi32, #tpu.memory_space<vmem>>) semaphore(%arg16 : memref<!tpu.dma_semaphore, #tpu.memory_space<semaphore_mem>>)
    %dma_wait3A = arith.constant 0 : i32
    %dma_wait3A_54 = arith.constant 0 : i32
    %dma_wait3A_55 = tpu.memref_slice %arg15[%dma_wait3A, %dma_wait3A_54] : memref<512x128xf32, #tpu.memory_space<vmem>> -> memref<128x128xf32, #tpu.memory_space<vmem>>
    %dma_wait3A_56 = arith.constant 0 : i32
    %dma_wait3A_57 = tpu.memref_slice %arg12[%add3A_6, %dma_wait3A_56] : memref<128x128xi32, #tpu.memory_space<vmem>> -> memref<1x128xi32, #tpu.memory_space<vmem>>
    %dma_wait3A_58 = tpu.memref_squeeze %dma_wait3A_57 : memref<1x128xi32, #tpu.memory_space<vmem>> -> memref<128xi32, #tpu.memory_space<vmem>>
    %dma_wait3A_59 = arith.constant 0 : i32
    %dma_wait3A_60 = arith.constant 0 : i32
    %dma_wait3A_61 = tpu.memref_slice %arg4[%dma_wait3A_59, %dma_wait3A_60] : memref<250000x128xf32, #tpu.memory_space<hbm>> -> memref<250000x128xf32, #tpu.memory_space<hbm>>
    tpu.wait_indirect_dma semaphore(%arg16 : memref<!tpu.dma_semaphore, #tpu.memory_space<semaphore_mem>>) src(%dma_wait3A_61 : memref<250000x128xf32, #tpu.memory_space<hbm>>) dst(%dma_wait3A_55 : memref<128x128xf32, #tpu.memory_space<vmem>>)
    %dma_wait3A_62 = arith.constant 128 : i32
    %dma_wait3A_63 = arith.constant 0 : i32
    %dma_wait3A_64 = tpu.memref_slice %arg15[%dma_wait3A_62, %dma_wait3A_63] : memref<512x128xf32, #tpu.memory_space<vmem>> -> memref<128x128xf32, #tpu.memory_space<vmem>>
    %dma_wait3A_65 = arith.constant 0 : i32
    %dma_wait3A_66 = tpu.memref_slice %arg12[%add3A_10, %dma_wait3A_65] : memref<128x128xi32, #tpu.memory_space<vmem>> -> memref<1x128xi32, #tpu.memory_space<vmem>>
    %dma_wait3A_67 = tpu.memref_squeeze %dma_wait3A_66 : memref<1x128xi32, #tpu.memory_space<vmem>> -> memref<128xi32, #tpu.memory_space<vmem>>
    %dma_wait3A_68 = arith.constant 0 : i32
    %dma_wait3A_69 = arith.constant 0 : i32
    %dma_wait3A_70 = tpu.memref_slice %arg4[%dma_wait3A_68, %dma_wait3A_69] : memref<250000x128xf32, #tpu.memory_space<hbm>> -> memref<250000x128xf32, #tpu.memory_space<hbm>>
    tpu.wait_indirect_dma semaphore(%arg16 : memref<!tpu.dma_semaphore, #tpu.memory_space<semaphore_mem>>) src(%dma_wait3A_70 : memref<250000x128xf32, #tpu.memory_space<hbm>>) dst(%dma_wait3A_64 : memref<128x128xf32, #tpu.memory_space<vmem>>)
    %dma_wait3A_71 = arith.constant 256 : i32
    %dma_wait3A_72 = arith.constant 0 : i32
    %dma_wait3A_73 = tpu.memref_slice %arg15[%dma_wait3A_71, %dma_wait3A_72] : memref<512x128xf32, #tpu.memory_space<vmem>> -> memref<128x128xf32, #tpu.memory_space<vmem>>
    %dma_wait3A_74 = arith.constant 0 : i32
    %dma_wait3A_75 = tpu.memref_slice %arg12[%add3A_14, %dma_wait3A_74] : memref<128x128xi32, #tpu.memory_space<vmem>> -> memref<1x128xi32, #tpu.memory_space<vmem>>
    %dma_wait3A_76 = tpu.memref_squeeze %dma_wait3A_75 : memref<1x128xi32, #tpu.memory_space<vmem>> -> memref<128xi32, #tpu.memory_space<vmem>>
    %dma_wait3A_77 = arith.constant 0 : i32
    %dma_wait3A_78 = arith.constant 0 : i32
    %dma_wait3A_79 = tpu.memref_slice %arg4[%dma_wait3A_77, %dma_wait3A_78] : memref<250000x128xf32, #tpu.memory_space<hbm>> -> memref<250000x128xf32, #tpu.memory_space<hbm>>
    tpu.wait_indirect_dma semaphore(%arg16 : memref<!tpu.dma_semaphore, #tpu.memory_space<semaphore_mem>>) src(%dma_wait3A_79 : memref<250000x128xf32, #tpu.memory_space<hbm>>) dst(%dma_wait3A_73 : memref<128x128xf32, #tpu.memory_space<vmem>>)
    %dma_wait3A_80 = arith.constant 384 : i32
    %dma_wait3A_81 = arith.constant 0 : i32
    %dma_wait3A_82 = tpu.memref_slice %arg15[%dma_wait3A_80, %dma_wait3A_81] : memref<512x128xf32, #tpu.memory_space<vmem>> -> memref<128x128xf32, #tpu.memory_space<vmem>>
    %dma_wait3A_83 = arith.constant 0 : i32
    %dma_wait3A_84 = tpu.memref_slice %arg12[%add3A_18, %dma_wait3A_83] : memref<128x128xi32, #tpu.memory_space<vmem>> -> memref<1x128xi32, #tpu.memory_space<vmem>>
    %dma_wait3A_85 = tpu.memref_squeeze %dma_wait3A_84 : memref<1x128xi32, #tpu.memory_space<vmem>> -> memref<128xi32, #tpu.memory_space<vmem>>
    %dma_wait3A_86 = arith.constant 0 : i32
    %dma_wait3A_87 = arith.constant 0 : i32
    %dma_wait3A_88 = tpu.memref_slice %arg4[%dma_wait3A_86, %dma_wait3A_87] : memref<250000x128xf32, #tpu.memory_space<hbm>> -> memref<250000x128xf32, #tpu.memory_space<hbm>>
    tpu.wait_indirect_dma semaphore(%arg16 : memref<!tpu.dma_semaphore, #tpu.memory_space<semaphore_mem>>) src(%dma_wait3A_88 : memref<250000x128xf32, #tpu.memory_space<hbm>>) dst(%dma_wait3A_82 : memref<128x128xf32, #tpu.memory_space<vmem>>)
    "tpu.region"() ({
      %run_scoped3A = tpu.sem_alloc : memref<!tpu.dma_semaphore, #tpu.memory_space<semaphore_mem>>
      %dma_start3A_1422 = arith.constant 0 : i32
      %dma_start3A_1423 = tpu.memref_slice %arg8[%mul3A_2, %dma_start3A_1422] : memref<16384x128xf32, #tpu.memory_space<hbm>> -> memref<512x128xf32, #tpu.memory_space<hbm>>
      %dma_start3A_1424 = arith.constant 0 : i32
      %dma_start3A_1425 = tpu.memref_slice %arg8[%mul3A_2, %dma_start3A_1424] : memref<16384x128xf32, #tpu.memory_space<hbm>> -> memref<512x128xf32, #tpu.memory_space<hbm>>
      tpu.enqueue_dma source(%arg15 : memref<512x128xf32, #tpu.memory_space<vmem>>) target(%dma_start3A_1425 : memref<512x128xf32, #tpu.memory_space<hbm>>) target_semaphore(%run_scoped3A : memref<!tpu.dma_semaphore, #tpu.memory_space<semaphore_mem>>)
      %dma_wait3A_1426 = arith.constant 0 : i32
      %dma_wait3A_1427 = tpu.memref_slice %arg8[%mul3A_2, %dma_wait3A_1426] : memref<16384x128xf32, #tpu.memory_space<hbm>> -> memref<512x128xf32, #tpu.memory_space<hbm>>
      %dma_wait3A_1428 = arith.constant 0 : i32
      %dma_wait3A_1429 = tpu.memref_slice %arg8[%mul3A_2, %dma_wait3A_1428] : memref<16384x128xf32, #tpu.memory_space<hbm>> -> memref<512x128xf32, #tpu.memory_space<hbm>>
      tpu.wait_dma2 semaphore(%run_scoped3A : memref<!tpu.dma_semaphore, #tpu.memory_space<semaphore_mem>>) src(%arg15 : memref<512x128xf32, #tpu.memory_space<vmem>>) dst(%dma_wait3A_1429 : memref<512x128xf32, #tpu.memory_space<hbm>>)
      tpu.yield
    }) : () -> ()
    %mul3A_89 = arith.constant 4 : i32
    %mul3A_90 = arith.muli %add3A, %mul3A_89 : i32
    %add3A_91 = arith.constant 0 : i32
    %add3A_92 = arith.addi %mul3A_90, %add3A_91 : i32
    %mul3A_93 = arith.constant 4 : i32
    %mul3A_94 = arith.muli %add3A, %mul3A_93 : i32
    %add3A_95 = arith.constant 1 : i32
    %add3A_96 = arith.addi %mul3A_94, %add3A_95 : i32
    %mul3A_97 = arith.constant 4 : i32
    %mul3A_98 = arith.muli %add3A, %mul3A_97 : i32
    %add3A_99 = arith.constant 2 : i32
    %add3A_100 = arith.addi %mul3A_98, %add3A_99 : i32
    %mul3A_101 = arith.constant 4 : i32
    %mul3A_102 = arith.muli %add3A, %mul3A_101 : i32
    %add3A_103 = arith.constant 3 : i32
    %add3A_104 = arith.addi %mul3A_102, %add3A_103 : i32
    %dma_start3A_105 = arith.constant 0 : i32
    %dma_start3A_106 = arith.constant 0 : i32
    %dma_start3A_107 = tpu.memref_slice %arg15[%dma_start3A_105, %dma_start3A_106] : memref<512x128xf32, #tpu.memory_space<vmem>> -> memref<128x128xf32, #tpu.memory_space<vmem>>
    %dma_start3A_108 = arith.constant 0 : i32
    %dma_start3A_109 = tpu.memref_slice %arg13[%add3A_92, %dma_start3A_108] : memref<128x128xi32, #tpu.memory_space<vmem>> -> memref<1x128xi32, #tpu.memory_space<vmem>>
    %dma_start3A_110 = tpu.memref_squeeze %dma_start3A_109 : memref<1x128xi32, #tpu.memory_space<vmem>> -> memref<128xi32, #tpu.memory_space<vmem>>
    %dma_start3A_111 = arith.constant 0 : i32
    %dma_start3A_112 = arith.constant 0 : i32
    %dma_start3A_113 = tpu.memref_slice %arg5[%dma_start3A_111, %dma_start3A_112] : memref<250000x128xf32, #tpu.memory_space<hbm>> -> memref<250000x128xf32, #tpu.memory_space<hbm>>
    tpu.enqueue_indirect_dma source(%dma_start3A_113 : memref<250000x128xf32, #tpu.memory_space<hbm>>) target(%dma_start3A_107 : memref<128x128xf32, #tpu.memory_space<vmem>>) offsets(%dma_start3A_110 : memref<128xi32, #tpu.memory_space<vmem>>) semaphore(%arg16 : memref<!tpu.dma_semaphore, #tpu.memory_space<semaphore_mem>>)
    %dma_start3A_114 = arith.constant 128 : i32
    %dma_start3A_115 = arith.constant 0 : i32
    %dma_start3A_116 = tpu.memref_slice %arg15[%dma_start3A_114, %dma_start3A_115] : memref<512x128xf32, #tpu.memory_space<vmem>> -> memref<128x128xf32, #tpu.memory_space<vmem>>
    %dma_start3A_117 = arith.constant 0 : i32
    %dma_start3A_118 = tpu.memref_slice %arg13[%add3A_96, %dma_start3A_117] : memref<128x128xi32, #tpu.memory_space<vmem>> -> memref<1x128xi32, #tpu.memory_space<vmem>>
    %dma_start3A_119 = tpu.memref_squeeze %dma_start3A_118 : memref<1x128xi32, #tpu.memory_space<vmem>> -> memref<128xi32, #tpu.memory_space<vmem>>
    %dma_start3A_120 = arith.constant 0 : i32
    %dma_start3A_121 = arith.constant 0 : i32
    %dma_start3A_122 = tpu.memref_slice %arg5[%dma_start3A_120, %dma_start3A_121] : memref<250000x128xf32, #tpu.memory_space<hbm>> -> memref<250000x128xf32, #tpu.memory_space<hbm>>
    tpu.enqueue_indirect_dma source(%dma_start3A_122 : memref<250000x128xf32, #tpu.memory_space<hbm>>) target(%dma_start3A_116 : memref<128x128xf32, #tpu.memory_space<vmem>>) offsets(%dma_start3A_119 : memref<128xi32, #tpu.memory_space<vmem>>) semaphore(%arg16 : memref<!tpu.dma_semaphore, #tpu.memory_space<semaphore_mem>>)
    %dma_start3A_123 = arith.constant 256 : i32
    %dma_start3A_124 = arith.constant 0 : i32
    %dma_start3A_125 = tpu.memref_slice %arg15[%dma_start3A_123, %dma_start3A_124] : memref<512x128xf32, #tpu.memory_space<vmem>> -> memref<128x128xf32, #tpu.memory_space<vmem>>
    %dma_start3A_126 = arith.constant 0 : i32
    %dma_start3A_127 = tpu.memref_slice %arg13[%add3A_100, %dma_start3A_126] : memref<128x128xi32, #tpu.memory_space<vmem>> -> memref<1x128xi32, #tpu.memory_space<vmem>>
    %dma_start3A_128 = tpu.memref_squeeze %dma_start3A_127 : memref<1x128xi32, #tpu.memory_space<vmem>> -> memref<128xi32, #tpu.memory_space<vmem>>
    %dma_start3A_129 = arith.constant 0 : i32
    %dma_start3A_130 = arith.constant 0 : i32
    %dma_start3A_131 = tpu.memref_slice %arg5[%dma_start3A_129, %dma_start3A_130] : memref<250000x128xf32, #tpu.memory_space<hbm>> -> memref<250000x128xf32, #tpu.memory_space<hbm>>
    tpu.enqueue_indirect_dma source(%dma_start3A_131 : memref<250000x128xf32, #tpu.memory_space<hbm>>) target(%dma_start3A_125 : memref<128x128xf32, #tpu.memory_space<vmem>>) offsets(%dma_start3A_128 : memref<128xi32, #tpu.memory_space<vmem>>) semaphore(%arg16 : memref<!tpu.dma_semaphore, #tpu.memory_space<semaphore_mem>>)
    %dma_start3A_132 = arith.constant 384 : i32
    %dma_start3A_133 = arith.constant 0 : i32
    %dma_start3A_134 = tpu.memref_slice %arg15[%dma_start3A_132, %dma_start3A_133] : memref<512x128xf32, #tpu.memory_space<vmem>> -> memref<128x128xf32, #tpu.memory_space<vmem>>
    %dma_start3A_135 = arith.constant 0 : i32
    %dma_start3A_136 = tpu.memref_slice %arg13[%add3A_104, %dma_start3A_135] : memref<128x128xi32, #tpu.memory_space<vmem>> -> memref<1x128xi32, #tpu.memory_space<vmem>>
    %dma_start3A_137 = tpu.memref_squeeze %dma_start3A_136 : memref<1x128xi32, #tpu.memory_space<vmem>> -> memref<128xi32, #tpu.memory_space<vmem>>
    %dma_start3A_138 = arith.constant 0 : i32
    %dma_start3A_139 = arith.constant 0 : i32
    %dma_start3A_140 = tpu.memref_slice %arg5[%dma_start3A_138, %dma_start3A_139] : memref<250000x128xf32, #tpu.memory_space<hbm>> -> memref<250000x128xf32, #tpu.memory_space<hbm>>
    tpu.enqueue_indirect_dma source(%dma_start3A_140 : memref<250000x128xf32, #tpu.memory_space<hbm>>) target(%dma_start3A_134 : memref<128x128xf32, #tpu.memory_space<vmem>>) offsets(%dma_start3A_137 : memref<128xi32, #tpu.memory_space<vmem>>) semaphore(%arg16 : memref<!tpu.dma_semaphore, #tpu.memory_space<semaphore_mem>>)
    %dma_wait3A_141 = arith.constant 0 : i32
    %dma_wait3A_142 = arith.constant 0 : i32
    %dma_wait3A_143 = tpu.memref_slice %arg15[%dma_wait3A_141, %dma_wait3A_142] : memref<512x128xf32, #tpu.memory_space<vmem>> -> memref<128x128xf32, #tpu.memory_space<vmem>>
    %dma_wait3A_144 = arith.constant 0 : i32
    %dma_wait3A_145 = tpu.memref_slice %arg13[%add3A_92, %dma_wait3A_144] : memref<128x128xi32, #tpu.memory_space<vmem>> -> memref<1x128xi32, #tpu.memory_space<vmem>>
    %dma_wait3A_146 = tpu.memref_squeeze %dma_wait3A_145 : memref<1x128xi32, #tpu.memory_space<vmem>> -> memref<128xi32, #tpu.memory_space<vmem>>
    %dma_wait3A_147 = arith.constant 0 : i32
    %dma_wait3A_148 = arith.constant 0 : i32
    %dma_wait3A_149 = tpu.memref_slice %arg5[%dma_wait3A_147, %dma_wait3A_148] : memref<250000x128xf32, #tpu.memory_space<hbm>> -> memref<250000x128xf32, #tpu.memory_space<hbm>>
    tpu.wait_indirect_dma semaphore(%arg16 : memref<!tpu.dma_semaphore, #tpu.memory_space<semaphore_mem>>) src(%dma_wait3A_149 : memref<250000x128xf32, #tpu.memory_space<hbm>>) dst(%dma_wait3A_143 : memref<128x128xf32, #tpu.memory_space<vmem>>)
    %dma_wait3A_150 = arith.constant 128 : i32
    %dma_wait3A_151 = arith.constant 0 : i32
    %dma_wait3A_152 = tpu.memref_slice %arg15[%dma_wait3A_150, %dma_wait3A_151] : memref<512x128xf32, #tpu.memory_space<vmem>> -> memref<128x128xf32, #tpu.memory_space<vmem>>
    %dma_wait3A_153 = arith.constant 0 : i32
    %dma_wait3A_154 = tpu.memref_slice %arg13[%add3A_96, %dma_wait3A_153] : memref<128x128xi32, #tpu.memory_space<vmem>> -> memref<1x128xi32, #tpu.memory_space<vmem>>
    %dma_wait3A_155 = tpu.memref_squeeze %dma_wait3A_154 : memref<1x128xi32, #tpu.memory_space<vmem>> -> memref<128xi32, #tpu.memory_space<vmem>>
    %dma_wait3A_156 = arith.constant 0 : i32
    %dma_wait3A_157 = arith.constant 0 : i32
    %dma_wait3A_158 = tpu.memref_slice %arg5[%dma_wait3A_156, %dma_wait3A_157] : memref<250000x128xf32, #tpu.memory_space<hbm>> -> memref<250000x128xf32, #tpu.memory_space<hbm>>
    tpu.wait_indirect_dma semaphore(%arg16 : memref<!tpu.dma_semaphore, #tpu.memory_space<semaphore_mem>>) src(%dma_wait3A_158 : memref<250000x128xf32, #tpu.memory_space<hbm>>) dst(%dma_wait3A_152 : memref<128x128xf32, #tpu.memory_space<vmem>>)
    %dma_wait3A_159 = arith.constant 256 : i32
    %dma_wait3A_160 = arith.constant 0 : i32
    %dma_wait3A_161 = tpu.memref_slice %arg15[%dma_wait3A_159, %dma_wait3A_160] : memref<512x128xf32, #tpu.memory_space<vmem>> -> memref<128x128xf32, #tpu.memory_space<vmem>>
    %dma_wait3A_162 = arith.constant 0 : i32
    %dma_wait3A_163 = tpu.memref_slice %arg13[%add3A_100, %dma_wait3A_162] : memref<128x128xi32, #tpu.memory_space<vmem>> -> memref<1x128xi32, #tpu.memory_space<vmem>>
    %dma_wait3A_164 = tpu.memref_squeeze %dma_wait3A_163 : memref<1x128xi32, #tpu.memory_space<vmem>> -> memref<128xi32, #tpu.memory_space<vmem>>
    %dma_wait3A_165 = arith.constant 0 : i32
    %dma_wait3A_166 = arith.constant 0 : i32
    %dma_wait3A_167 = tpu.memref_slice %arg5[%dma_wait3A_165, %dma_wait3A_166] : memref<250000x128xf32, #tpu.memory_space<hbm>> -> memref<250000x128xf32, #tpu.memory_space<hbm>>
    tpu.wait_indirect_dma semaphore(%arg16 : memref<!tpu.dma_semaphore, #tpu.memory_space<semaphore_mem>>) src(%dma_wait3A_167 : memref<250000x128xf32, #tpu.memory_space<hbm>>) dst(%dma_wait3A_161 : memref<128x128xf32, #tpu.memory_space<vmem>>)
    %dma_wait3A_168 = arith.constant 384 : i32
    %dma_wait3A_169 = arith.constant 0 : i32
    %dma_wait3A_170 = tpu.memref_slice %arg15[%dma_wait3A_168, %dma_wait3A_169] : memref<512x128xf32, #tpu.memory_space<vmem>> -> memref<128x128xf32, #tpu.memory_space<vmem>>
    %dma_wait3A_171 = arith.constant 0 : i32
    %dma_wait3A_172 = tpu.memref_slice %arg13[%add3A_104, %dma_wait3A_171] : memref<128x128xi32, #tpu.memory_space<vmem>> -> memref<1x128xi32, #tpu.memory_space<vmem>>
    %dma_wait3A_173 = tpu.memref_squeeze %dma_wait3A_172 : memref<1x128xi32, #tpu.memory_space<vmem>> -> memref<128xi32, #tpu.memory_space<vmem>>
    %dma_wait3A_174 = arith.constant 0 : i32
    %dma_wait3A_175 = arith.constant 0 : i32
    %dma_wait3A_176 = tpu.memref_slice %arg5[%dma_wait3A_174, %dma_wait3A_175] : memref<250000x128xf32, #tpu.memory_space<hbm>> -> memref<250000x128xf32, #tpu.memory_space<hbm>>
    tpu.wait_indirect_dma semaphore(%arg16 : memref<!tpu.dma_semaphore, #tpu.memory_space<semaphore_mem>>) src(%dma_wait3A_176 : memref<250000x128xf32, #tpu.memory_space<hbm>>) dst(%dma_wait3A_170 : memref<128x128xf32, #tpu.memory_space<vmem>>)
    "tpu.region"() ({
      %run_scoped3A = tpu.sem_alloc : memref<!tpu.dma_semaphore, #tpu.memory_space<semaphore_mem>>
      %dma_start3A_1422 = arith.constant 0 : i32
      %dma_start3A_1423 = tpu.memref_slice %arg9[%mul3A_2, %dma_start3A_1422] : memref<16384x128xf32, #tpu.memory_space<hbm>> -> memref<512x128xf32, #tpu.memory_space<hbm>>
      %dma_start3A_1424 = arith.constant 0 : i32
      %dma_start3A_1425 = tpu.memref_slice %arg9[%mul3A_2, %dma_start3A_1424] : memref<16384x128xf32, #tpu.memory_space<hbm>> -> memref<512x128xf32, #tpu.memory_space<hbm>>
      tpu.enqueue_dma source(%arg15 : memref<512x128xf32, #tpu.memory_space<vmem>>) target(%dma_start3A_1425 : memref<512x128xf32, #tpu.memory_space<hbm>>) target_semaphore(%run_scoped3A : memref<!tpu.dma_semaphore, #tpu.memory_space<semaphore_mem>>)
      %dma_wait3A_1426 = arith.constant 0 : i32
      %dma_wait3A_1427 = tpu.memref_slice %arg9[%mul3A_2, %dma_wait3A_1426] : memref<16384x128xf32, #tpu.memory_space<hbm>> -> memref<512x128xf32, #tpu.memory_space<hbm>>
      %dma_wait3A_1428 = arith.constant 0 : i32
      %dma_wait3A_1429 = tpu.memref_slice %arg9[%mul3A_2, %dma_wait3A_1428] : memref<16384x128xf32, #tpu.memory_space<hbm>> -> memref<512x128xf32, #tpu.memory_space<hbm>>
      tpu.wait_dma2 semaphore(%run_scoped3A : memref<!tpu.dma_semaphore, #tpu.memory_space<semaphore_mem>>) src(%arg15 : memref<512x128xf32, #tpu.memory_space<vmem>>) dst(%dma_wait3A_1429 : memref<512x128xf32, #tpu.memory_space<hbm>>)
      tpu.yield
    }) : () -> ()
    %mul3A_177 = arith.constant 4 : i32
    %mul3A_178 = arith.muli %add3A, %mul3A_177 : i32
    %add3A_179 = arith.constant 0 : i32
    %add3A_180 = arith.addi %mul3A_178, %add3A_179 : i32
    %get3A = arith.index_cast %add3A_180 : i32 to index
    %get3A_181 = arith.constant 0 : index
    %get3A_182 = tpu.vector_load %arg12[%get3A, %get3A_181] {strides = array<i32>} : memref<128x128xi32, #tpu.memory_space<vmem>>, vector<1x16xi32>,
    %get3A_183 = vector.shape_cast %get3A_182 : vector<1x16xi32> to vector<16xi32>
    %shift_right_arithmetic3A = arith.constant 5 : i32
    %shift_right_arithmetic3A_184 = vector.broadcast %shift_right_arithmetic3A : i32 to vector<16xi32>
    %shift_right_arithmetic3A_185 = arith.shrsi %get3A_183, %shift_right_arithmetic3A_184 : vector<16xi32>
    %swap3A = arith.constant 0 : i32
    %swap3A_186 = arith.index_cast %swap3A : i32 to index
    %swap3A_187 = arith.constant 0 : index
    %swap3A_188 = tpu.vector_load %arg14[%swap3A_186, %swap3A_187] {strides = array<i32>} : memref<4x128xi32, #tpu.memory_space<vmem>>, vector<1x16xi32>,
    %swap3A_189 = vector.shape_cast %swap3A_188 : vector<1x16xi32> to vector<16xi32>
    %swap3A_190 = vector.shape_cast %shift_right_arithmetic3A_185 : vector<16xi32> to vector<1x16xi32>
    tpu.vector_store %arg14[%swap3A_186, %swap3A_187], %swap3A_190 {strides = array<i32>} : memref<4x128xi32, #tpu.memory_space<vmem>>, vector<1x16xi32>,
    %mul3A_191 = arith.constant 4 : i32
    %mul3A_192 = arith.muli %add3A, %mul3A_191 : i32
    %add3A_193 = arith.constant 0 : i32
    %add3A_194 = arith.addi %mul3A_192, %add3A_193 : i32
    %get3A_195 = arith.index_cast %add3A_194 : i32 to index
    %get3A_196 = arith.constant 16 : index
    %get3A_197 = tpu.vector_load %arg12[%get3A_195, %get3A_196] {strides = array<i32>} : memref<128x128xi32, #tpu.memory_space<vmem>>, vector<1x16xi32>,
    %get3A_198 = vector.shape_cast %get3A_197 : vector<1x16xi32> to vector<16xi32>
    %shift_right_arithmetic3A_199 = arith.constant 5 : i32
    %shift_right_arithmetic3A_200 = vector.broadcast %shift_right_arithmetic3A_199 : i32 to vector<16xi32>
    %shift_right_arithmetic3A_201 = arith.shrsi %get3A_198, %shift_right_arithmetic3A_200 : vector<16xi32>
    %swap3A_202 = arith.constant 0 : i32
    %swap3A_203 = arith.index_cast %swap3A_202 : i32 to index
    %swap3A_204 = arith.constant 16 : index
    %swap3A_205 = tpu.vector_load %arg14[%swap3A_203, %swap3A_204] {strides = array<i32>} : memref<4x128xi32, #tpu.memory_space<vmem>>, vector<1x16xi32>,
    %swap3A_206 = vector.shape_cast %swap3A_205 : vector<1x16xi32> to vector<16xi32>
    %swap3A_207 = vector.shape_cast %shift_right_arithmetic3A_201 : vector<16xi32> to vector<1x16xi32>
    tpu.vector_store %arg14[%swap3A_203, %swap3A_204], %swap3A_207 {strides = array<i32>} : memref<4x128xi32, #tpu.memory_space<vmem>>, vector<1x16xi32>,
    %mul3A_208 = arith.constant 4 : i32
    %mul3A_209 = arith.muli %add3A, %mul3A_208 : i32
    %add3A_210 = arith.constant 0 : i32
    %add3A_211 = arith.addi %mul3A_209, %add3A_210 : i32
    %get3A_212 = arith.index_cast %add3A_211 : i32 to index
    %get3A_213 = arith.constant 32 : index
    %get3A_214 = tpu.vector_load %arg12[%get3A_212, %get3A_213] {strides = array<i32>} : memref<128x128xi32, #tpu.memory_space<vmem>>, vector<1x16xi32>,
    %get3A_215 = vector.shape_cast %get3A_214 : vector<1x16xi32> to vector<16xi32>
    %shift_right_arithmetic3A_216 = arith.constant 5 : i32
    %shift_right_arithmetic3A_217 = vector.broadcast %shift_right_arithmetic3A_216 : i32 to vector<16xi32>
    %shift_right_arithmetic3A_218 = arith.shrsi %get3A_215, %shift_right_arithmetic3A_217 : vector<16xi32>
    %swap3A_219 = arith.constant 0 : i32
    %swap3A_220 = arith.index_cast %swap3A_219 : i32 to index
    %swap3A_221 = arith.constant 32 : index
    %swap3A_222 = tpu.vector_load %arg14[%swap3A_220, %swap3A_221] {strides = array<i32>} : memref<4x128xi32, #tpu.memory_space<vmem>>, vector<1x16xi32>,
    %swap3A_223 = vector.shape_cast %swap3A_222 : vector<1x16xi32> to vector<16xi32>
    %swap3A_224 = vector.shape_cast %shift_right_arithmetic3A_218 : vector<16xi32> to vector<1x16xi32>
    tpu.vector_store %arg14[%swap3A_220, %swap3A_221], %swap3A_224 {strides = array<i32>} : memref<4x128xi32, #tpu.memory_space<vmem>>, vector<1x16xi32>,
    %mul3A_225 = arith.constant 4 : i32
    %mul3A_226 = arith.muli %add3A, %mul3A_225 : i32
    %add3A_227 = arith.constant 0 : i32
    %add3A_228 = arith.addi %mul3A_226, %add3A_227 : i32
    %get3A_229 = arith.index_cast %add3A_228 : i32 to index
    %get3A_230 = arith.constant 48 : index
    %get3A_231 = tpu.vector_load %arg12[%get3A_229, %get3A_230] {strides = array<i32>} : memref<128x128xi32, #tpu.memory_space<vmem>>, vector<1x16xi32>,
    %get3A_232 = vector.shape_cast %get3A_231 : vector<1x16xi32> to vector<16xi32>
    %shift_right_arithmetic3A_233 = arith.constant 5 : i32
    %shift_right_arithmetic3A_234 = vector.broadcast %shift_right_arithmetic3A_233 : i32 to vector<16xi32>
    %shift_right_arithmetic3A_235 = arith.shrsi %get3A_232, %shift_right_arithmetic3A_234 : vector<16xi32>
    %swap3A_236 = arith.constant 0 : i32
    %swap3A_237 = arith.index_cast %swap3A_236 : i32 to index
    %swap3A_238 = arith.constant 48 : index
    %swap3A_239 = tpu.vector_load %arg14[%swap3A_237, %swap3A_238] {strides = array<i32>} : memref<4x128xi32, #tpu.memory_space<vmem>>, vector<1x16xi32>,
    %swap3A_240 = vector.shape_cast %swap3A_239 : vector<1x16xi32> to vector<16xi32>
    %swap3A_241 = vector.shape_cast %shift_right_arithmetic3A_235 : vector<16xi32> to vector<1x16xi32>
    tpu.vector_store %arg14[%swap3A_237, %swap3A_238], %swap3A_241 {strides = array<i32>} : memref<4x128xi32, #tpu.memory_space<vmem>>, vector<1x16xi32>,
    %mul3A_242 = arith.constant 4 : i32
    %mul3A_243 = arith.muli %add3A, %mul3A_242 : i32
    %add3A_244 = arith.constant 0 : i32
    %add3A_245 = arith.addi %mul3A_243, %add3A_244 : i32
    %get3A_246 = arith.index_cast %add3A_245 : i32 to index
    %get3A_247 = arith.constant 64 : index
    %get3A_248 = tpu.vector_load %arg12[%get3A_246, %get3A_247] {strides = array<i32>} : memref<128x128xi32, #tpu.memory_space<vmem>>, vector<1x16xi32>,
    %get3A_249 = vector.shape_cast %get3A_248 : vector<1x16xi32> to vector<16xi32>
    %shift_right_arithmetic3A_250 = arith.constant 5 : i32
    %shift_right_arithmetic3A_251 = vector.broadcast %shift_right_arithmetic3A_250 : i32 to vector<16xi32>
    %shift_right_arithmetic3A_252 = arith.shrsi %get3A_249, %shift_right_arithmetic3A_251 : vector<16xi32>
    %swap3A_253 = arith.constant 0 : i32
    %swap3A_254 = arith.index_cast %swap3A_253 : i32 to index
    %swap3A_255 = arith.constant 64 : index
    %swap3A_256 = tpu.vector_load %arg14[%swap3A_254, %swap3A_255] {strides = array<i32>} : memref<4x128xi32, #tpu.memory_space<vmem>>, vector<1x16xi32>,
    %swap3A_257 = vector.shape_cast %swap3A_256 : vector<1x16xi32> to vector<16xi32>
    %swap3A_258 = vector.shape_cast %shift_right_arithmetic3A_252 : vector<16xi32> to vector<1x16xi32>
    tpu.vector_store %arg14[%swap3A_254, %swap3A_255], %swap3A_258 {strides = array<i32>} : memref<4x128xi32, #tpu.memory_space<vmem>>, vector<1x16xi32>,
    %mul3A_259 = arith.constant 4 : i32
    %mul3A_260 = arith.muli %add3A, %mul3A_259 : i32
    %add3A_261 = arith.constant 0 : i32
    %add3A_262 = arith.addi %mul3A_260, %add3A_261 : i32
    %get3A_263 = arith.index_cast %add3A_262 : i32 to index
    %get3A_264 = arith.constant 80 : index
    %get3A_265 = tpu.vector_load %arg12[%get3A_263, %get3A_264] {strides = array<i32>} : memref<128x128xi32, #tpu.memory_space<vmem>>, vector<1x16xi32>,
    %get3A_266 = vector.shape_cast %get3A_265 : vector<1x16xi32> to vector<16xi32>
    %shift_right_arithmetic3A_267 = arith.constant 5 : i32
    %shift_right_arithmetic3A_268 = vector.broadcast %shift_right_arithmetic3A_267 : i32 to vector<16xi32>
    %shift_right_arithmetic3A_269 = arith.shrsi %get3A_266, %shift_right_arithmetic3A_268 : vector<16xi32>
    %swap3A_270 = arith.constant 0 : i32
    %swap3A_271 = arith.index_cast %swap3A_270 : i32 to index
    %swap3A_272 = arith.constant 80 : index
    %swap3A_273 = tpu.vector_load %arg14[%swap3A_271, %swap3A_272] {strides = array<i32>} : memref<4x128xi32, #tpu.memory_space<vmem>>, vector<1x16xi32>,
    %swap3A_274 = vector.shape_cast %swap3A_273 : vector<1x16xi32> to vector<16xi32>
    %swap3A_275 = vector.shape_cast %shift_right_arithmetic3A_269 : vector<16xi32> to vector<1x16xi32>
    tpu.vector_store %arg14[%swap3A_271, %swap3A_272], %swap3A_275 {strides = array<i32>} : memref<4x128xi32, #tpu.memory_space<vmem>>, vector<1x16xi32>,
    %mul3A_276 = arith.constant 4 : i32
    %mul3A_277 = arith.muli %add3A, %mul3A_276 : i32
    %add3A_278 = arith.constant 0 : i32
    %add3A_279 = arith.addi %mul3A_277, %add3A_278 : i32
    %get3A_280 = arith.index_cast %add3A_279 : i32 to index
    %get3A_281 = arith.constant 96 : index
    %get3A_282 = tpu.vector_load %arg12[%get3A_280, %get3A_281] {strides = array<i32>} : memref<128x128xi32, #tpu.memory_space<vmem>>, vector<1x16xi32>,
    %get3A_283 = vector.shape_cast %get3A_282 : vector<1x16xi32> to vector<16xi32>
    %shift_right_arithmetic3A_284 = arith.constant 5 : i32
    %shift_right_arithmetic3A_285 = vector.broadcast %shift_right_arithmetic3A_284 : i32 to vector<16xi32>
    %shift_right_arithmetic3A_286 = arith.shrsi %get3A_283, %shift_right_arithmetic3A_285 : vector<16xi32>
    %swap3A_287 = arith.constant 0 : i32
    %swap3A_288 = arith.index_cast %swap3A_287 : i32 to index
    %swap3A_289 = arith.constant 96 : index
    %swap3A_290 = tpu.vector_load %arg14[%swap3A_288, %swap3A_289] {strides = array<i32>} : memref<4x128xi32, #tpu.memory_space<vmem>>, vector<1x16xi32>,
    %swap3A_291 = vector.shape_cast %swap3A_290 : vector<1x16xi32> to vector<16xi32>
    %swap3A_292 = vector.shape_cast %shift_right_arithmetic3A_286 : vector<16xi32> to vector<1x16xi32>
    tpu.vector_store %arg14[%swap3A_288, %swap3A_289], %swap3A_292 {strides = array<i32>} : memref<4x128xi32, #tpu.memory_space<vmem>>, vector<1x16xi32>,
    %mul3A_293 = arith.constant 4 : i32
    %mul3A_294 = arith.muli %add3A, %mul3A_293 : i32
    %add3A_295 = arith.constant 0 : i32
    %add3A_296 = arith.addi %mul3A_294, %add3A_295 : i32
    %get3A_297 = arith.index_cast %add3A_296 : i32 to index
    %get3A_298 = arith.constant 112 : index
    %get3A_299 = tpu.vector_load %arg12[%get3A_297, %get3A_298] {strides = array<i32>} : memref<128x128xi32, #tpu.memory_space<vmem>>, vector<1x16xi32>,
    %get3A_300 = vector.shape_cast %get3A_299 : vector<1x16xi32> to vector<16xi32>
    %shift_right_arithmetic3A_301 = arith.constant 5 : i32
    %shift_right_arithmetic3A_302 = vector.broadcast %shift_right_arithmetic3A_301 : i32 to vector<16xi32>
    %shift_right_arithmetic3A_303 = arith.shrsi %get3A_300, %shift_right_arithmetic3A_302 : vector<16xi32>
    %swap3A_304 = arith.constant 0 : i32
    %swap3A_305 = arith.index_cast %swap3A_304 : i32 to index
    %swap3A_306 = arith.constant 112 : index
    %swap3A_307 = tpu.vector_load %arg14[%swap3A_305, %swap3A_306] {strides = array<i32>} : memref<4x128xi32, #tpu.memory_space<vmem>>, vector<1x16xi32>,
    %swap3A_308 = vector.shape_cast %swap3A_307 : vector<1x16xi32> to vector<16xi32>
    %swap3A_309 = vector.shape_cast %shift_right_arithmetic3A_303 : vector<16xi32> to vector<1x16xi32>
    tpu.vector_store %arg14[%swap3A_305, %swap3A_306], %swap3A_309 {strides = array<i32>} : memref<4x128xi32, #tpu.memory_space<vmem>>, vector<1x16xi32>,
    %mul3A_310 = arith.constant 4 : i32
    %mul3A_311 = arith.muli %add3A, %mul3A_310 : i32
    %add3A_312 = arith.constant 1 : i32
    %add3A_313 = arith.addi %mul3A_311, %add3A_312 : i32
    %get3A_314 = arith.index_cast %add3A_313 : i32 to index
    %get3A_315 = arith.constant 0 : index
    %get3A_316 = tpu.vector_load %arg12[%get3A_314, %get3A_315] {strides = array<i32>} : memref<128x128xi32, #tpu.memory_space<vmem>>, vector<1x16xi32>,
    %get3A_317 = vector.shape_cast %get3A_316 : vector<1x16xi32> to vector<16xi32>
    %shift_right_arithmetic3A_318 = arith.constant 5 : i32
    %shift_right_arithmetic3A_319 = vector.broadcast %shift_right_arithmetic3A_318 : i32 to vector<16xi32>
    %shift_right_arithmetic3A_320 = arith.shrsi %get3A_317, %shift_right_arithmetic3A_319 : vector<16xi32>
    %swap3A_321 = arith.constant 1 : i32
    %swap3A_322 = arith.index_cast %swap3A_321 : i32 to index
    %swap3A_323 = arith.constant 0 : index
    %swap3A_324 = tpu.vector_load %arg14[%swap3A_322, %swap3A_323] {strides = array<i32>} : memref<4x128xi32, #tpu.memory_space<vmem>>, vector<1x16xi32>,
    %swap3A_325 = vector.shape_cast %swap3A_324 : vector<1x16xi32> to vector<16xi32>
    %swap3A_326 = vector.shape_cast %shift_right_arithmetic3A_320 : vector<16xi32> to vector<1x16xi32>
    tpu.vector_store %arg14[%swap3A_322, %swap3A_323], %swap3A_326 {strides = array<i32>} : memref<4x128xi32, #tpu.memory_space<vmem>>, vector<1x16xi32>,
    %mul3A_327 = arith.constant 4 : i32
    %mul3A_328 = arith.muli %add3A, %mul3A_327 : i32
    %add3A_329 = arith.constant 1 : i32
    %add3A_330 = arith.addi %mul3A_328, %add3A_329 : i32
    %get3A_331 = arith.index_cast %add3A_330 : i32 to index
    %get3A_332 = arith.constant 16 : index
    %get3A_333 = tpu.vector_load %arg12[%get3A_331, %get3A_332] {strides = array<i32>} : memref<128x128xi32, #tpu.memory_space<vmem>>, vector<1x16xi32>,
    %get3A_334 = vector.shape_cast %get3A_333 : vector<1x16xi32> to vector<16xi32>
    %shift_right_arithmetic3A_335 = arith.constant 5 : i32
    %shift_right_arithmetic3A_336 = vector.broadcast %shift_right_arithmetic3A_335 : i32 to vector<16xi32>
    %shift_right_arithmetic3A_337 = arith.shrsi %get3A_334, %shift_right_arithmetic3A_336 : vector<16xi32>
    %swap3A_338 = arith.constant 1 : i32
    %swap3A_339 = arith.index_cast %swap3A_338 : i32 to index
    %swap3A_340 = arith.constant 16 : index
    %swap3A_341 = tpu.vector_load %arg14[%swap3A_339, %swap3A_340] {strides = array<i32>} : memref<4x128xi32, #tpu.memory_space<vmem>>, vector<1x16xi32>,
    %swap3A_342 = vector.shape_cast %swap3A_341 : vector<1x16xi32> to vector<16xi32>
    %swap3A_343 = vector.shape_cast %shift_right_arithmetic3A_337 : vector<16xi32> to vector<1x16xi32>
    tpu.vector_store %arg14[%swap3A_339, %swap3A_340], %swap3A_343 {strides = array<i32>} : memref<4x128xi32, #tpu.memory_space<vmem>>, vector<1x16xi32>,
    %mul3A_344 = arith.constant 4 : i32
    %mul3A_345 = arith.muli %add3A, %mul3A_344 : i32
    %add3A_346 = arith.constant 1 : i32
    %add3A_347 = arith.addi %mul3A_345, %add3A_346 : i32
    %get3A_348 = arith.index_cast %add3A_347 : i32 to index
    %get3A_349 = arith.constant 32 : index
    %get3A_350 = tpu.vector_load %arg12[%get3A_348, %get3A_349] {strides = array<i32>} : memref<128x128xi32, #tpu.memory_space<vmem>>, vector<1x16xi32>,
    %get3A_351 = vector.shape_cast %get3A_350 : vector<1x16xi32> to vector<16xi32>
    %shift_right_arithmetic3A_352 = arith.constant 5 : i32
    %shift_right_arithmetic3A_353 = vector.broadcast %shift_right_arithmetic3A_352 : i32 to vector<16xi32>
    %shift_right_arithmetic3A_354 = arith.shrsi %get3A_351, %shift_right_arithmetic3A_353 : vector<16xi32>
    %swap3A_355 = arith.constant 1 : i32
    %swap3A_356 = arith.index_cast %swap3A_355 : i32 to index
    %swap3A_357 = arith.constant 32 : index
    %swap3A_358 = tpu.vector_load %arg14[%swap3A_356, %swap3A_357] {strides = array<i32>} : memref<4x128xi32, #tpu.memory_space<vmem>>, vector<1x16xi32>,
    %swap3A_359 = vector.shape_cast %swap3A_358 : vector<1x16xi32> to vector<16xi32>
    %swap3A_360 = vector.shape_cast %shift_right_arithmetic3A_354 : vector<16xi32> to vector<1x16xi32>
    tpu.vector_store %arg14[%swap3A_356, %swap3A_357], %swap3A_360 {strides = array<i32>} : memref<4x128xi32, #tpu.memory_space<vmem>>, vector<1x16xi32>,
    %mul3A_361 = arith.constant 4 : i32
    %mul3A_362 = arith.muli %add3A, %mul3A_361 : i32
    %add3A_363 = arith.constant 1 : i32
    %add3A_364 = arith.addi %mul3A_362, %add3A_363 : i32
    %get3A_365 = arith.index_cast %add3A_364 : i32 to index
    %get3A_366 = arith.constant 48 : index
    %get3A_367 = tpu.vector_load %arg12[%get3A_365, %get3A_366] {strides = array<i32>} : memref<128x128xi32, #tpu.memory_space<vmem>>, vector<1x16xi32>,
    %get3A_368 = vector.shape_cast %get3A_367 : vector<1x16xi32> to vector<16xi32>
    %shift_right_arithmetic3A_369 = arith.constant 5 : i32
    %shift_right_arithmetic3A_370 = vector.broadcast %shift_right_arithmetic3A_369 : i32 to vector<16xi32>
    %shift_right_arithmetic3A_371 = arith.shrsi %get3A_368, %shift_right_arithmetic3A_370 : vector<16xi32>
    %swap3A_372 = arith.constant 1 : i32
    %swap3A_373 = arith.index_cast %swap3A_372 : i32 to index
    %swap3A_374 = arith.constant 48 : index
    %swap3A_375 = tpu.vector_load %arg14[%swap3A_373, %swap3A_374] {strides = array<i32>} : memref<4x128xi32, #tpu.memory_space<vmem>>, vector<1x16xi32>,
    %swap3A_376 = vector.shape_cast %swap3A_375 : vector<1x16xi32> to vector<16xi32>
    %swap3A_377 = vector.shape_cast %shift_right_arithmetic3A_371 : vector<16xi32> to vector<1x16xi32>
    tpu.vector_store %arg14[%swap3A_373, %swap3A_374], %swap3A_377 {strides = array<i32>} : memref<4x128xi32, #tpu.memory_space<vmem>>, vector<1x16xi32>,
    %mul3A_378 = arith.constant 4 : i32
    %mul3A_379 = arith.muli %add3A, %mul3A_378 : i32
    %add3A_380 = arith.constant 1 : i32
    %add3A_381 = arith.addi %mul3A_379, %add3A_380 : i32
    %get3A_382 = arith.index_cast %add3A_381 : i32 to index
    %get3A_383 = arith.constant 64 : index
    %get3A_384 = tpu.vector_load %arg12[%get3A_382, %get3A_383] {strides = array<i32>} : memref<128x128xi32, #tpu.memory_space<vmem>>, vector<1x16xi32>,
    %get3A_385 = vector.shape_cast %get3A_384 : vector<1x16xi32> to vector<16xi32>
    %shift_right_arithmetic3A_386 = arith.constant 5 : i32
    %shift_right_arithmetic3A_387 = vector.broadcast %shift_right_arithmetic3A_386 : i32 to vector<16xi32>
    %shift_right_arithmetic3A_388 = arith.shrsi %get3A_385, %shift_right_arithmetic3A_387 : vector<16xi32>
    %swap3A_389 = arith.constant 1 : i32
    %swap3A_390 = arith.index_cast %swap3A_389 : i32 to index
    %swap3A_391 = arith.constant 64 : index
    %swap3A_392 = tpu.vector_load %arg14[%swap3A_390, %swap3A_391] {strides = array<i32>} : memref<4x128xi32, #tpu.memory_space<vmem>>, vector<1x16xi32>,
    %swap3A_393 = vector.shape_cast %swap3A_392 : vector<1x16xi32> to vector<16xi32>
    %swap3A_394 = vector.shape_cast %shift_right_arithmetic3A_388 : vector<16xi32> to vector<1x16xi32>
    tpu.vector_store %arg14[%swap3A_390, %swap3A_391], %swap3A_394 {strides = array<i32>} : memref<4x128xi32, #tpu.memory_space<vmem>>, vector<1x16xi32>,
    %mul3A_395 = arith.constant 4 : i32
    %mul3A_396 = arith.muli %add3A, %mul3A_395 : i32
    %add3A_397 = arith.constant 1 : i32
    %add3A_398 = arith.addi %mul3A_396, %add3A_397 : i32
    %get3A_399 = arith.index_cast %add3A_398 : i32 to index
    %get3A_400 = arith.constant 80 : index
    %get3A_401 = tpu.vector_load %arg12[%get3A_399, %get3A_400] {strides = array<i32>} : memref<128x128xi32, #tpu.memory_space<vmem>>, vector<1x16xi32>,
    %get3A_402 = vector.shape_cast %get3A_401 : vector<1x16xi32> to vector<16xi32>
    %shift_right_arithmetic3A_403 = arith.constant 5 : i32
    %shift_right_arithmetic3A_404 = vector.broadcast %shift_right_arithmetic3A_403 : i32 to vector<16xi32>
    %shift_right_arithmetic3A_405 = arith.shrsi %get3A_402, %shift_right_arithmetic3A_404 : vector<16xi32>
    %swap3A_406 = arith.constant 1 : i32
    %swap3A_407 = arith.index_cast %swap3A_406 : i32 to index
    %swap3A_408 = arith.constant 80 : index
    %swap3A_409 = tpu.vector_load %arg14[%swap3A_407, %swap3A_408] {strides = array<i32>} : memref<4x128xi32, #tpu.memory_space<vmem>>, vector<1x16xi32>,
    %swap3A_410 = vector.shape_cast %swap3A_409 : vector<1x16xi32> to vector<16xi32>
    %swap3A_411 = vector.shape_cast %shift_right_arithmetic3A_405 : vector<16xi32> to vector<1x16xi32>
    tpu.vector_store %arg14[%swap3A_407, %swap3A_408], %swap3A_411 {strides = array<i32>} : memref<4x128xi32, #tpu.memory_space<vmem>>, vector<1x16xi32>,
    %mul3A_412 = arith.constant 4 : i32
    %mul3A_413 = arith.muli %add3A, %mul3A_412 : i32
    %add3A_414 = arith.constant 1 : i32
    %add3A_415 = arith.addi %mul3A_413, %add3A_414 : i32
    %get3A_416 = arith.index_cast %add3A_415 : i32 to index
    %get3A_417 = arith.constant 96 : index
    %get3A_418 = tpu.vector_load %arg12[%get3A_416, %get3A_417] {strides = array<i32>} : memref<128x128xi32, #tpu.memory_space<vmem>>, vector<1x16xi32>,
    %get3A_419 = vector.shape_cast %get3A_418 : vector<1x16xi32> to vector<16xi32>
    %shift_right_arithmetic3A_420 = arith.constant 5 : i32
    %shift_right_arithmetic3A_421 = vector.broadcast %shift_right_arithmetic3A_420 : i32 to vector<16xi32>
    %shift_right_arithmetic3A_422 = arith.shrsi %get3A_419, %shift_right_arithmetic3A_421 : vector<16xi32>
    %swap3A_423 = arith.constant 1 : i32
    %swap3A_424 = arith.index_cast %swap3A_423 : i32 to index
    %swap3A_425 = arith.constant 96 : index
    %swap3A_426 = tpu.vector_load %arg14[%swap3A_424, %swap3A_425] {strides = array<i32>} : memref<4x128xi32, #tpu.memory_space<vmem>>, vector<1x16xi32>,
    %swap3A_427 = vector.shape_cast %swap3A_426 : vector<1x16xi32> to vector<16xi32>
    %swap3A_428 = vector.shape_cast %shift_right_arithmetic3A_422 : vector<16xi32> to vector<1x16xi32>
    tpu.vector_store %arg14[%swap3A_424, %swap3A_425], %swap3A_428 {strides = array<i32>} : memref<4x128xi32, #tpu.memory_space<vmem>>, vector<1x16xi32>,
    %mul3A_429 = arith.constant 4 : i32
    %mul3A_430 = arith.muli %add3A, %mul3A_429 : i32
    %add3A_431 = arith.constant 1 : i32
    %add3A_432 = arith.addi %mul3A_430, %add3A_431 : i32
    %get3A_433 = arith.index_cast %add3A_432 : i32 to index
    %get3A_434 = arith.constant 112 : index
    %get3A_435 = tpu.vector_load %arg12[%get3A_433, %get3A_434] {strides = array<i32>} : memref<128x128xi32, #tpu.memory_space<vmem>>, vector<1x16xi32>,
    %get3A_436 = vector.shape_cast %get3A_435 : vector<1x16xi32> to vector<16xi32>
    %shift_right_arithmetic3A_437 = arith.constant 5 : i32
    %shift_right_arithmetic3A_438 = vector.broadcast %shift_right_arithmetic3A_437 : i32 to vector<16xi32>
    %shift_right_arithmetic3A_439 = arith.shrsi %get3A_436, %shift_right_arithmetic3A_438 : vector<16xi32>
    %swap3A_440 = arith.constant 1 : i32
    %swap3A_441 = arith.index_cast %swap3A_440 : i32 to index
    %swap3A_442 = arith.constant 112 : index
    %swap3A_443 = tpu.vector_load %arg14[%swap3A_441, %swap3A_442] {strides = array<i32>} : memref<4x128xi32, #tpu.memory_space<vmem>>, vector<1x16xi32>,
    %swap3A_444 = vector.shape_cast %swap3A_443 : vector<1x16xi32> to vector<16xi32>
    %swap3A_445 = vector.shape_cast %shift_right_arithmetic3A_439 : vector<16xi32> to vector<1x16xi32>
    tpu.vector_store %arg14[%swap3A_441, %swap3A_442], %swap3A_445 {strides = array<i32>} : memref<4x128xi32, #tpu.memory_space<vmem>>, vector<1x16xi32>,
    %mul3A_446 = arith.constant 4 : i32
    %mul3A_447 = arith.muli %add3A, %mul3A_446 : i32
    %add3A_448 = arith.constant 2 : i32
    %add3A_449 = arith.addi %mul3A_447, %add3A_448 : i32
    %get3A_450 = arith.index_cast %add3A_449 : i32 to index
    %get3A_451 = arith.constant 0 : index
    %get3A_452 = tpu.vector_load %arg12[%get3A_450, %get3A_451] {strides = array<i32>} : memref<128x128xi32, #tpu.memory_space<vmem>>, vector<1x16xi32>,
    %get3A_453 = vector.shape_cast %get3A_452 : vector<1x16xi32> to vector<16xi32>
    %shift_right_arithmetic3A_454 = arith.constant 5 : i32
    %shift_right_arithmetic3A_455 = vector.broadcast %shift_right_arithmetic3A_454 : i32 to vector<16xi32>
    %shift_right_arithmetic3A_456 = arith.shrsi %get3A_453, %shift_right_arithmetic3A_455 : vector<16xi32>
    %swap3A_457 = arith.constant 2 : i32
    %swap3A_458 = arith.index_cast %swap3A_457 : i32 to index
    %swap3A_459 = arith.constant 0 : index
    %swap3A_460 = tpu.vector_load %arg14[%swap3A_458, %swap3A_459] {strides = array<i32>} : memref<4x128xi32, #tpu.memory_space<vmem>>, vector<1x16xi32>,
    %swap3A_461 = vector.shape_cast %swap3A_460 : vector<1x16xi32> to vector<16xi32>
    %swap3A_462 = vector.shape_cast %shift_right_arithmetic3A_456 : vector<16xi32> to vector<1x16xi32>
    tpu.vector_store %arg14[%swap3A_458, %swap3A_459], %swap3A_462 {strides = array<i32>} : memref<4x128xi32, #tpu.memory_space<vmem>>, vector<1x16xi32>,
    %mul3A_463 = arith.constant 4 : i32
    %mul3A_464 = arith.muli %add3A, %mul3A_463 : i32
    %add3A_465 = arith.constant 2 : i32
    %add3A_466 = arith.addi %mul3A_464, %add3A_465 : i32
    %get3A_467 = arith.index_cast %add3A_466 : i32 to index
    %get3A_468 = arith.constant 16 : index
    %get3A_469 = tpu.vector_load %arg12[%get3A_467, %get3A_468] {strides = array<i32>} : memref<128x128xi32, #tpu.memory_space<vmem>>, vector<1x16xi32>,
    %get3A_470 = vector.shape_cast %get3A_469 : vector<1x16xi32> to vector<16xi32>
    %shift_right_arithmetic3A_471 = arith.constant 5 : i32
    %shift_right_arithmetic3A_472 = vector.broadcast %shift_right_arithmetic3A_471 : i32 to vector<16xi32>
    %shift_right_arithmetic3A_473 = arith.shrsi %get3A_470, %shift_right_arithmetic3A_472 : vector<16xi32>
    %swap3A_474 = arith.constant 2 : i32
    %swap3A_475 = arith.index_cast %swap3A_474 : i32 to index
    %swap3A_476 = arith.constant 16 : index
    %swap3A_477 = tpu.vector_load %arg14[%swap3A_475, %swap3A_476] {strides = array<i32>} : memref<4x128xi32, #tpu.memory_space<vmem>>, vector<1x16xi32>,
    %swap3A_478 = vector.shape_cast %swap3A_477 : vector<1x16xi32> to vector<16xi32>
    %swap3A_479 = vector.shape_cast %shift_right_arithmetic3A_473 : vector<16xi32> to vector<1x16xi32>
    tpu.vector_store %arg14[%swap3A_475, %swap3A_476], %swap3A_479 {strides = array<i32>} : memref<4x128xi32, #tpu.memory_space<vmem>>, vector<1x16xi32>,
    %mul3A_480 = arith.constant 4 : i32
    %mul3A_481 = arith.muli %add3A, %mul3A_480 : i32
    %add3A_482 = arith.constant 2 : i32
    %add3A_483 = arith.addi %mul3A_481, %add3A_482 : i32
    %get3A_484 = arith.index_cast %add3A_483 : i32 to index
    %get3A_485 = arith.constant 32 : index
    %get3A_486 = tpu.vector_load %arg12[%get3A_484, %get3A_485] {strides = array<i32>} : memref<128x128xi32, #tpu.memory_space<vmem>>, vector<1x16xi32>,
    %get3A_487 = vector.shape_cast %get3A_486 : vector<1x16xi32> to vector<16xi32>
    %shift_right_arithmetic3A_488 = arith.constant 5 : i32
    %shift_right_arithmetic3A_489 = vector.broadcast %shift_right_arithmetic3A_488 : i32 to vector<16xi32>
    %shift_right_arithmetic3A_490 = arith.shrsi %get3A_487, %shift_right_arithmetic3A_489 : vector<16xi32>
    %swap3A_491 = arith.constant 2 : i32
    %swap3A_492 = arith.index_cast %swap3A_491 : i32 to index
    %swap3A_493 = arith.constant 32 : index
    %swap3A_494 = tpu.vector_load %arg14[%swap3A_492, %swap3A_493] {strides = array<i32>} : memref<4x128xi32, #tpu.memory_space<vmem>>, vector<1x16xi32>,
    %swap3A_495 = vector.shape_cast %swap3A_494 : vector<1x16xi32> to vector<16xi32>
    %swap3A_496 = vector.shape_cast %shift_right_arithmetic3A_490 : vector<16xi32> to vector<1x16xi32>
    tpu.vector_store %arg14[%swap3A_492, %swap3A_493], %swap3A_496 {strides = array<i32>} : memref<4x128xi32, #tpu.memory_space<vmem>>, vector<1x16xi32>,
    %mul3A_497 = arith.constant 4 : i32
    %mul3A_498 = arith.muli %add3A, %mul3A_497 : i32
    %add3A_499 = arith.constant 2 : i32
    %add3A_500 = arith.addi %mul3A_498, %add3A_499 : i32
    %get3A_501 = arith.index_cast %add3A_500 : i32 to index
    %get3A_502 = arith.constant 48 : index
    %get3A_503 = tpu.vector_load %arg12[%get3A_501, %get3A_502] {strides = array<i32>} : memref<128x128xi32, #tpu.memory_space<vmem>>, vector<1x16xi32>,
    %get3A_504 = vector.shape_cast %get3A_503 : vector<1x16xi32> to vector<16xi32>
    %shift_right_arithmetic3A_505 = arith.constant 5 : i32
    %shift_right_arithmetic3A_506 = vector.broadcast %shift_right_arithmetic3A_505 : i32 to vector<16xi32>
    %shift_right_arithmetic3A_507 = arith.shrsi %get3A_504, %shift_right_arithmetic3A_506 : vector<16xi32>
    %swap3A_508 = arith.constant 2 : i32
    %swap3A_509 = arith.index_cast %swap3A_508 : i32 to index
    %swap3A_510 = arith.constant 48 : index
    %swap3A_511 = tpu.vector_load %arg14[%swap3A_509, %swap3A_510] {strides = array<i32>} : memref<4x128xi32, #tpu.memory_space<vmem>>, vector<1x16xi32>,
    %swap3A_512 = vector.shape_cast %swap3A_511 : vector<1x16xi32> to vector<16xi32>
    %swap3A_513 = vector.shape_cast %shift_right_arithmetic3A_507 : vector<16xi32> to vector<1x16xi32>
    tpu.vector_store %arg14[%swap3A_509, %swap3A_510], %swap3A_513 {strides = array<i32>} : memref<4x128xi32, #tpu.memory_space<vmem>>, vector<1x16xi32>,
    %mul3A_514 = arith.constant 4 : i32
    %mul3A_515 = arith.muli %add3A, %mul3A_514 : i32
    %add3A_516 = arith.constant 2 : i32
    %add3A_517 = arith.addi %mul3A_515, %add3A_516 : i32
    %get3A_518 = arith.index_cast %add3A_517 : i32 to index
    %get3A_519 = arith.constant 64 : index
    %get3A_520 = tpu.vector_load %arg12[%get3A_518, %get3A_519] {strides = array<i32>} : memref<128x128xi32, #tpu.memory_space<vmem>>, vector<1x16xi32>,
    %get3A_521 = vector.shape_cast %get3A_520 : vector<1x16xi32> to vector<16xi32>
    %shift_right_arithmetic3A_522 = arith.constant 5 : i32
    %shift_right_arithmetic3A_523 = vector.broadcast %shift_right_arithmetic3A_522 : i32 to vector<16xi32>
    %shift_right_arithmetic3A_524 = arith.shrsi %get3A_521, %shift_right_arithmetic3A_523 : vector<16xi32>
    %swap3A_525 = arith.constant 2 : i32
    %swap3A_526 = arith.index_cast %swap3A_525 : i32 to index
    %swap3A_527 = arith.constant 64 : index
    %swap3A_528 = tpu.vector_load %arg14[%swap3A_526, %swap3A_527] {strides = array<i32>} : memref<4x128xi32, #tpu.memory_space<vmem>>, vector<1x16xi32>,
    %swap3A_529 = vector.shape_cast %swap3A_528 : vector<1x16xi32> to vector<16xi32>
    %swap3A_530 = vector.shape_cast %shift_right_arithmetic3A_524 : vector<16xi32> to vector<1x16xi32>
    tpu.vector_store %arg14[%swap3A_526, %swap3A_527], %swap3A_530 {strides = array<i32>} : memref<4x128xi32, #tpu.memory_space<vmem>>, vector<1x16xi32>,
    %mul3A_531 = arith.constant 4 : i32
    %mul3A_532 = arith.muli %add3A, %mul3A_531 : i32
    %add3A_533 = arith.constant 2 : i32
    %add3A_534 = arith.addi %mul3A_532, %add3A_533 : i32
    %get3A_535 = arith.index_cast %add3A_534 : i32 to index
    %get3A_536 = arith.constant 80 : index
    %get3A_537 = tpu.vector_load %arg12[%get3A_535, %get3A_536] {strides = array<i32>} : memref<128x128xi32, #tpu.memory_space<vmem>>, vector<1x16xi32>,
    %get3A_538 = vector.shape_cast %get3A_537 : vector<1x16xi32> to vector<16xi32>
    %shift_right_arithmetic3A_539 = arith.constant 5 : i32
    %shift_right_arithmetic3A_540 = vector.broadcast %shift_right_arithmetic3A_539 : i32 to vector<16xi32>
    %shift_right_arithmetic3A_541 = arith.shrsi %get3A_538, %shift_right_arithmetic3A_540 : vector<16xi32>
    %swap3A_542 = arith.constant 2 : i32
    %swap3A_543 = arith.index_cast %swap3A_542 : i32 to index
    %swap3A_544 = arith.constant 80 : index
    %swap3A_545 = tpu.vector_load %arg14[%swap3A_543, %swap3A_544] {strides = array<i32>} : memref<4x128xi32, #tpu.memory_space<vmem>>, vector<1x16xi32>,
    %swap3A_546 = vector.shape_cast %swap3A_545 : vector<1x16xi32> to vector<16xi32>
    %swap3A_547 = vector.shape_cast %shift_right_arithmetic3A_541 : vector<16xi32> to vector<1x16xi32>
    tpu.vector_store %arg14[%swap3A_543, %swap3A_544], %swap3A_547 {strides = array<i32>} : memref<4x128xi32, #tpu.memory_space<vmem>>, vector<1x16xi32>,
    %mul3A_548 = arith.constant 4 : i32
    %mul3A_549 = arith.muli %add3A, %mul3A_548 : i32
    %add3A_550 = arith.constant 2 : i32
    %add3A_551 = arith.addi %mul3A_549, %add3A_550 : i32
    %get3A_552 = arith.index_cast %add3A_551 : i32 to index
    %get3A_553 = arith.constant 96 : index
    %get3A_554 = tpu.vector_load %arg12[%get3A_552, %get3A_553] {strides = array<i32>} : memref<128x128xi32, #tpu.memory_space<vmem>>, vector<1x16xi32>,
    %get3A_555 = vector.shape_cast %get3A_554 : vector<1x16xi32> to vector<16xi32>
    %shift_right_arithmetic3A_556 = arith.constant 5 : i32
    %shift_right_arithmetic3A_557 = vector.broadcast %shift_right_arithmetic3A_556 : i32 to vector<16xi32>
    %shift_right_arithmetic3A_558 = arith.shrsi %get3A_555, %shift_right_arithmetic3A_557 : vector<16xi32>
    %swap3A_559 = arith.constant 2 : i32
    %swap3A_560 = arith.index_cast %swap3A_559 : i32 to index
    %swap3A_561 = arith.constant 96 : index
    %swap3A_562 = tpu.vector_load %arg14[%swap3A_560, %swap3A_561] {strides = array<i32>} : memref<4x128xi32, #tpu.memory_space<vmem>>, vector<1x16xi32>,
    %swap3A_563 = vector.shape_cast %swap3A_562 : vector<1x16xi32> to vector<16xi32>
    %swap3A_564 = vector.shape_cast %shift_right_arithmetic3A_558 : vector<16xi32> to vector<1x16xi32>
    tpu.vector_store %arg14[%swap3A_560, %swap3A_561], %swap3A_564 {strides = array<i32>} : memref<4x128xi32, #tpu.memory_space<vmem>>, vector<1x16xi32>,
    %mul3A_565 = arith.constant 4 : i32
    %mul3A_566 = arith.muli %add3A, %mul3A_565 : i32
    %add3A_567 = arith.constant 2 : i32
    %add3A_568 = arith.addi %mul3A_566, %add3A_567 : i32
    %get3A_569 = arith.index_cast %add3A_568 : i32 to index
    %get3A_570 = arith.constant 112 : index
    %get3A_571 = tpu.vector_load %arg12[%get3A_569, %get3A_570] {strides = array<i32>} : memref<128x128xi32, #tpu.memory_space<vmem>>, vector<1x16xi32>,
    %get3A_572 = vector.shape_cast %get3A_571 : vector<1x16xi32> to vector<16xi32>
    %shift_right_arithmetic3A_573 = arith.constant 5 : i32
    %shift_right_arithmetic3A_574 = vector.broadcast %shift_right_arithmetic3A_573 : i32 to vector<16xi32>
    %shift_right_arithmetic3A_575 = arith.shrsi %get3A_572, %shift_right_arithmetic3A_574 : vector<16xi32>
    %swap3A_576 = arith.constant 2 : i32
    %swap3A_577 = arith.index_cast %swap3A_576 : i32 to index
    %swap3A_578 = arith.constant 112 : index
    %swap3A_579 = tpu.vector_load %arg14[%swap3A_577, %swap3A_578] {strides = array<i32>} : memref<4x128xi32, #tpu.memory_space<vmem>>, vector<1x16xi32>,
    %swap3A_580 = vector.shape_cast %swap3A_579 : vector<1x16xi32> to vector<16xi32>
    %swap3A_581 = vector.shape_cast %shift_right_arithmetic3A_575 : vector<16xi32> to vector<1x16xi32>
    tpu.vector_store %arg14[%swap3A_577, %swap3A_578], %swap3A_581 {strides = array<i32>} : memref<4x128xi32, #tpu.memory_space<vmem>>, vector<1x16xi32>,
    %mul3A_582 = arith.constant 4 : i32
    %mul3A_583 = arith.muli %add3A, %mul3A_582 : i32
    %add3A_584 = arith.constant 3 : i32
    %add3A_585 = arith.addi %mul3A_583, %add3A_584 : i32
    %get3A_586 = arith.index_cast %add3A_585 : i32 to index
    %get3A_587 = arith.constant 0 : index
    %get3A_588 = tpu.vector_load %arg12[%get3A_586, %get3A_587] {strides = array<i32>} : memref<128x128xi32, #tpu.memory_space<vmem>>, vector<1x16xi32>,
    %get3A_589 = vector.shape_cast %get3A_588 : vector<1x16xi32> to vector<16xi32>
    %shift_right_arithmetic3A_590 = arith.constant 5 : i32
    %shift_right_arithmetic3A_591 = vector.broadcast %shift_right_arithmetic3A_590 : i32 to vector<16xi32>
    %shift_right_arithmetic3A_592 = arith.shrsi %get3A_589, %shift_right_arithmetic3A_591 : vector<16xi32>
    %swap3A_593 = arith.constant 3 : i32
    %swap3A_594 = arith.index_cast %swap3A_593 : i32 to index
    %swap3A_595 = arith.constant 0 : index
    %swap3A_596 = tpu.vector_load %arg14[%swap3A_594, %swap3A_595] {strides = array<i32>} : memref<4x128xi32, #tpu.memory_space<vmem>>, vector<1x16xi32>,
    %swap3A_597 = vector.shape_cast %swap3A_596 : vector<1x16xi32> to vector<16xi32>
    %swap3A_598 = vector.shape_cast %shift_right_arithmetic3A_592 : vector<16xi32> to vector<1x16xi32>
    tpu.vector_store %arg14[%swap3A_594, %swap3A_595], %swap3A_598 {strides = array<i32>} : memref<4x128xi32, #tpu.memory_space<vmem>>, vector<1x16xi32>,
    %mul3A_599 = arith.constant 4 : i32
    %mul3A_600 = arith.muli %add3A, %mul3A_599 : i32
    %add3A_601 = arith.constant 3 : i32
    %add3A_602 = arith.addi %mul3A_600, %add3A_601 : i32
    %get3A_603 = arith.index_cast %add3A_602 : i32 to index
    %get3A_604 = arith.constant 16 : index
    %get3A_605 = tpu.vector_load %arg12[%get3A_603, %get3A_604] {strides = array<i32>} : memref<128x128xi32, #tpu.memory_space<vmem>>, vector<1x16xi32>,
    %get3A_606 = vector.shape_cast %get3A_605 : vector<1x16xi32> to vector<16xi32>
    %shift_right_arithmetic3A_607 = arith.constant 5 : i32
    %shift_right_arithmetic3A_608 = vector.broadcast %shift_right_arithmetic3A_607 : i32 to vector<16xi32>
    %shift_right_arithmetic3A_609 = arith.shrsi %get3A_606, %shift_right_arithmetic3A_608 : vector<16xi32>
    %swap3A_610 = arith.constant 3 : i32
    %swap3A_611 = arith.index_cast %swap3A_610 : i32 to index
    %swap3A_612 = arith.constant 16 : index
    %swap3A_613 = tpu.vector_load %arg14[%swap3A_611, %swap3A_612] {strides = array<i32>} : memref<4x128xi32, #tpu.memory_space<vmem>>, vector<1x16xi32>,
    %swap3A_614 = vector.shape_cast %swap3A_613 : vector<1x16xi32> to vector<16xi32>
    %swap3A_615 = vector.shape_cast %shift_right_arithmetic3A_609 : vector<16xi32> to vector<1x16xi32>
    tpu.vector_store %arg14[%swap3A_611, %swap3A_612], %swap3A_615 {strides = array<i32>} : memref<4x128xi32, #tpu.memory_space<vmem>>, vector<1x16xi32>,
    %mul3A_616 = arith.constant 4 : i32
    %mul3A_617 = arith.muli %add3A, %mul3A_616 : i32
    %add3A_618 = arith.constant 3 : i32
    %add3A_619 = arith.addi %mul3A_617, %add3A_618 : i32
    %get3A_620 = arith.index_cast %add3A_619 : i32 to index
    %get3A_621 = arith.constant 32 : index
    %get3A_622 = tpu.vector_load %arg12[%get3A_620, %get3A_621] {strides = array<i32>} : memref<128x128xi32, #tpu.memory_space<vmem>>, vector<1x16xi32>,
    %get3A_623 = vector.shape_cast %get3A_622 : vector<1x16xi32> to vector<16xi32>
    %shift_right_arithmetic3A_624 = arith.constant 5 : i32
    %shift_right_arithmetic3A_625 = vector.broadcast %shift_right_arithmetic3A_624 : i32 to vector<16xi32>
    %shift_right_arithmetic3A_626 = arith.shrsi %get3A_623, %shift_right_arithmetic3A_625 : vector<16xi32>
    %swap3A_627 = arith.constant 3 : i32
    %swap3A_628 = arith.index_cast %swap3A_627 : i32 to index
    %swap3A_629 = arith.constant 32 : index
    %swap3A_630 = tpu.vector_load %arg14[%swap3A_628, %swap3A_629] {strides = array<i32>} : memref<4x128xi32, #tpu.memory_space<vmem>>, vector<1x16xi32>,
    %swap3A_631 = vector.shape_cast %swap3A_630 : vector<1x16xi32> to vector<16xi32>
    %swap3A_632 = vector.shape_cast %shift_right_arithmetic3A_626 : vector<16xi32> to vector<1x16xi32>
    tpu.vector_store %arg14[%swap3A_628, %swap3A_629], %swap3A_632 {strides = array<i32>} : memref<4x128xi32, #tpu.memory_space<vmem>>, vector<1x16xi32>,
    %mul3A_633 = arith.constant 4 : i32
    %mul3A_634 = arith.muli %add3A, %mul3A_633 : i32
    %add3A_635 = arith.constant 3 : i32
    %add3A_636 = arith.addi %mul3A_634, %add3A_635 : i32
    %get3A_637 = arith.index_cast %add3A_636 : i32 to index
    %get3A_638 = arith.constant 48 : index
    %get3A_639 = tpu.vector_load %arg12[%get3A_637, %get3A_638] {strides = array<i32>} : memref<128x128xi32, #tpu.memory_space<vmem>>, vector<1x16xi32>,
    %get3A_640 = vector.shape_cast %get3A_639 : vector<1x16xi32> to vector<16xi32>
    %shift_right_arithmetic3A_641 = arith.constant 5 : i32
    %shift_right_arithmetic3A_642 = vector.broadcast %shift_right_arithmetic3A_641 : i32 to vector<16xi32>
    %shift_right_arithmetic3A_643 = arith.shrsi %get3A_640, %shift_right_arithmetic3A_642 : vector<16xi32>
    %swap3A_644 = arith.constant 3 : i32
    %swap3A_645 = arith.index_cast %swap3A_644 : i32 to index
    %swap3A_646 = arith.constant 48 : index
    %swap3A_647 = tpu.vector_load %arg14[%swap3A_645, %swap3A_646] {strides = array<i32>} : memref<4x128xi32, #tpu.memory_space<vmem>>, vector<1x16xi32>,
    %swap3A_648 = vector.shape_cast %swap3A_647 : vector<1x16xi32> to vector<16xi32>
    %swap3A_649 = vector.shape_cast %shift_right_arithmetic3A_643 : vector<16xi32> to vector<1x16xi32>
    tpu.vector_store %arg14[%swap3A_645, %swap3A_646], %swap3A_649 {strides = array<i32>} : memref<4x128xi32, #tpu.memory_space<vmem>>, vector<1x16xi32>,
    %mul3A_650 = arith.constant 4 : i32
    %mul3A_651 = arith.muli %add3A, %mul3A_650 : i32
    %add3A_652 = arith.constant 3 : i32
    %add3A_653 = arith.addi %mul3A_651, %add3A_652 : i32
    %get3A_654 = arith.index_cast %add3A_653 : i32 to index
    %get3A_655 = arith.constant 64 : index
    %get3A_656 = tpu.vector_load %arg12[%get3A_654, %get3A_655] {strides = array<i32>} : memref<128x128xi32, #tpu.memory_space<vmem>>, vector<1x16xi32>,
    %get3A_657 = vector.shape_cast %get3A_656 : vector<1x16xi32> to vector<16xi32>
    %shift_right_arithmetic3A_658 = arith.constant 5 : i32
    %shift_right_arithmetic3A_659 = vector.broadcast %shift_right_arithmetic3A_658 : i32 to vector<16xi32>
    %shift_right_arithmetic3A_660 = arith.shrsi %get3A_657, %shift_right_arithmetic3A_659 : vector<16xi32>
    %swap3A_661 = arith.constant 3 : i32
    %swap3A_662 = arith.index_cast %swap3A_661 : i32 to index
    %swap3A_663 = arith.constant 64 : index
    %swap3A_664 = tpu.vector_load %arg14[%swap3A_662, %swap3A_663] {strides = array<i32>} : memref<4x128xi32, #tpu.memory_space<vmem>>, vector<1x16xi32>,
    %swap3A_665 = vector.shape_cast %swap3A_664 : vector<1x16xi32> to vector<16xi32>
    %swap3A_666 = vector.shape_cast %shift_right_arithmetic3A_660 : vector<16xi32> to vector<1x16xi32>
    tpu.vector_store %arg14[%swap3A_662, %swap3A_663], %swap3A_666 {strides = array<i32>} : memref<4x128xi32, #tpu.memory_space<vmem>>, vector<1x16xi32>,
    %mul3A_667 = arith.constant 4 : i32
    %mul3A_668 = arith.muli %add3A, %mul3A_667 : i32
    %add3A_669 = arith.constant 3 : i32
    %add3A_670 = arith.addi %mul3A_668, %add3A_669 : i32
    %get3A_671 = arith.index_cast %add3A_670 : i32 to index
    %get3A_672 = arith.constant 80 : index
    %get3A_673 = tpu.vector_load %arg12[%get3A_671, %get3A_672] {strides = array<i32>} : memref<128x128xi32, #tpu.memory_space<vmem>>, vector<1x16xi32>,
    %get3A_674 = vector.shape_cast %get3A_673 : vector<1x16xi32> to vector<16xi32>
    %shift_right_arithmetic3A_675 = arith.constant 5 : i32
    %shift_right_arithmetic3A_676 = vector.broadcast %shift_right_arithmetic3A_675 : i32 to vector<16xi32>
    %shift_right_arithmetic3A_677 = arith.shrsi %get3A_674, %shift_right_arithmetic3A_676 : vector<16xi32>
    %swap3A_678 = arith.constant 3 : i32
    %swap3A_679 = arith.index_cast %swap3A_678 : i32 to index
    %swap3A_680 = arith.constant 80 : index
    %swap3A_681 = tpu.vector_load %arg14[%swap3A_679, %swap3A_680] {strides = array<i32>} : memref<4x128xi32, #tpu.memory_space<vmem>>, vector<1x16xi32>,
    %swap3A_682 = vector.shape_cast %swap3A_681 : vector<1x16xi32> to vector<16xi32>
    %swap3A_683 = vector.shape_cast %shift_right_arithmetic3A_677 : vector<16xi32> to vector<1x16xi32>
    tpu.vector_store %arg14[%swap3A_679, %swap3A_680], %swap3A_683 {strides = array<i32>} : memref<4x128xi32, #tpu.memory_space<vmem>>, vector<1x16xi32>,
    %mul3A_684 = arith.constant 4 : i32
    %mul3A_685 = arith.muli %add3A, %mul3A_684 : i32
    %add3A_686 = arith.constant 3 : i32
    %add3A_687 = arith.addi %mul3A_685, %add3A_686 : i32
    %get3A_688 = arith.index_cast %add3A_687 : i32 to index
    %get3A_689 = arith.constant 96 : index
    %get3A_690 = tpu.vector_load %arg12[%get3A_688, %get3A_689] {strides = array<i32>} : memref<128x128xi32, #tpu.memory_space<vmem>>, vector<1x16xi32>,
    %get3A_691 = vector.shape_cast %get3A_690 : vector<1x16xi32> to vector<16xi32>
    %shift_right_arithmetic3A_692 = arith.constant 5 : i32
    %shift_right_arithmetic3A_693 = vector.broadcast %shift_right_arithmetic3A_692 : i32 to vector<16xi32>
    %shift_right_arithmetic3A_694 = arith.shrsi %get3A_691, %shift_right_arithmetic3A_693 : vector<16xi32>
    %swap3A_695 = arith.constant 3 : i32
    %swap3A_696 = arith.index_cast %swap3A_695 : i32 to index
    %swap3A_697 = arith.constant 96 : index
    %swap3A_698 = tpu.vector_load %arg14[%swap3A_696, %swap3A_697] {strides = array<i32>} : memref<4x128xi32, #tpu.memory_space<vmem>>, vector<1x16xi32>,
    %swap3A_699 = vector.shape_cast %swap3A_698 : vector<1x16xi32> to vector<16xi32>
    %swap3A_700 = vector.shape_cast %shift_right_arithmetic3A_694 : vector<16xi32> to vector<1x16xi32>
    tpu.vector_store %arg14[%swap3A_696, %swap3A_697], %swap3A_700 {strides = array<i32>} : memref<4x128xi32, #tpu.memory_space<vmem>>, vector<1x16xi32>,
    %mul3A_701 = arith.constant 4 : i32
    %mul3A_702 = arith.muli %add3A, %mul3A_701 : i32
    %add3A_703 = arith.constant 3 : i32
    %add3A_704 = arith.addi %mul3A_702, %add3A_703 : i32
    %get3A_705 = arith.index_cast %add3A_704 : i32 to index
    %get3A_706 = arith.constant 112 : index
    %get3A_707 = tpu.vector_load %arg12[%get3A_705, %get3A_706] {strides = array<i32>} : memref<128x128xi32, #tpu.memory_space<vmem>>, vector<1x16xi32>,
    %get3A_708 = vector.shape_cast %get3A_707 : vector<1x16xi32> to vector<16xi32>
    %shift_right_arithmetic3A_709 = arith.constant 5 : i32
    %shift_right_arithmetic3A_710 = vector.broadcast %shift_right_arithmetic3A_709 : i32 to vector<16xi32>
    %shift_right_arithmetic3A_711 = arith.shrsi %get3A_708, %shift_right_arithmetic3A_710 : vector<16xi32>
    %swap3A_712 = arith.constant 3 : i32
    %swap3A_713 = arith.index_cast %swap3A_712 : i32 to index
    %swap3A_714 = arith.constant 112 : index
    %swap3A_715 = tpu.vector_load %arg14[%swap3A_713, %swap3A_714] {strides = array<i32>} : memref<4x128xi32, #tpu.memory_space<vmem>>, vector<1x16xi32>,
    %swap3A_716 = vector.shape_cast %swap3A_715 : vector<1x16xi32> to vector<16xi32>
    %swap3A_717 = vector.shape_cast %shift_right_arithmetic3A_711 : vector<16xi32> to vector<1x16xi32>
    tpu.vector_store %arg14[%swap3A_713, %swap3A_714], %swap3A_717 {strides = array<i32>} : memref<4x128xi32, #tpu.memory_space<vmem>>, vector<1x16xi32>,
    %dma_start3A_718 = arith.constant 0 : i32
    %dma_start3A_719 = arith.constant 0 : i32
    %dma_start3A_720 = arith.constant 0 : i32
    %dma_start3A_721 = tpu.memref_slice %arg15[%dma_start3A_719, %dma_start3A_720] : memref<512x128xf32, #tpu.memory_space<vmem>> -> memref<128x128xf32, #tpu.memory_space<vmem>>
    %dma_start3A_722 = arith.constant 0 : i32
    %dma_start3A_723 = tpu.memref_slice %arg14[%dma_start3A_718, %dma_start3A_722] : memref<4x128xi32, #tpu.memory_space<vmem>> -> memref<1x128xi32, #tpu.memory_space<vmem>>
    %dma_start3A_724 = tpu.memref_squeeze %dma_start3A_723 : memref<1x128xi32, #tpu.memory_space<vmem>> -> memref<128xi32, #tpu.memory_space<vmem>>
    %dma_start3A_725 = arith.constant 0 : i32
    %dma_start3A_726 = arith.constant 0 : i32
    %dma_start3A_727 = tpu.memref_slice %arg6[%dma_start3A_725, %dma_start3A_726] : memref<7813x128xf32, #tpu.memory_space<hbm>> -> memref<7813x128xf32, #tpu.memory_space<hbm>>
    tpu.enqueue_indirect_dma source(%dma_start3A_727 : memref<7813x128xf32, #tpu.memory_space<hbm>>) target(%dma_start3A_721 : memref<128x128xf32, #tpu.memory_space<vmem>>) offsets(%dma_start3A_724 : memref<128xi32, #tpu.memory_space<vmem>>) semaphore(%arg16 : memref<!tpu.dma_semaphore, #tpu.memory_space<semaphore_mem>>)
    %dma_start3A_728 = arith.constant 1 : i32
    %dma_start3A_729 = arith.constant 128 : i32
    %dma_start3A_730 = arith.constant 0 : i32
    %dma_start3A_731 = tpu.memref_slice %arg15[%dma_start3A_729, %dma_start3A_730] : memref<512x128xf32, #tpu.memory_space<vmem>> -> memref<128x128xf32, #tpu.memory_space<vmem>>
    %dma_start3A_732 = arith.constant 0 : i32
    %dma_start3A_733 = tpu.memref_slice %arg14[%dma_start3A_728, %dma_start3A_732] : memref<4x128xi32, #tpu.memory_space<vmem>> -> memref<1x128xi32, #tpu.memory_space<vmem>>
    %dma_start3A_734 = tpu.memref_squeeze %dma_start3A_733 : memref<1x128xi32, #tpu.memory_space<vmem>> -> memref<128xi32, #tpu.memory_space<vmem>>
    %dma_start3A_735 = arith.constant 0 : i32
    %dma_start3A_736 = arith.constant 0 : i32
    %dma_start3A_737 = tpu.memref_slice %arg6[%dma_start3A_735, %dma_start3A_736] : memref<7813x128xf32, #tpu.memory_space<hbm>> -> memref<7813x128xf32, #tpu.memory_space<hbm>>
    tpu.enqueue_indirect_dma source(%dma_start3A_737 : memref<7813x128xf32, #tpu.memory_space<hbm>>) target(%dma_start3A_731 : memref<128x128xf32, #tpu.memory_space<vmem>>) offsets(%dma_start3A_734 : memref<128xi32, #tpu.memory_space<vmem>>) semaphore(%arg16 : memref<!tpu.dma_semaphore, #tpu.memory_space<semaphore_mem>>)
    %dma_start3A_738 = arith.constant 2 : i32
    %dma_start3A_739 = arith.constant 256 : i32
    %dma_start3A_740 = arith.constant 0 : i32
    %dma_start3A_741 = tpu.memref_slice %arg15[%dma_start3A_739, %dma_start3A_740] : memref<512x128xf32, #tpu.memory_space<vmem>> -> memref<128x128xf32, #tpu.memory_space<vmem>>
    %dma_start3A_742 = arith.constant 0 : i32
    %dma_start3A_743 = tpu.memref_slice %arg14[%dma_start3A_738, %dma_start3A_742] : memref<4x128xi32, #tpu.memory_space<vmem>> -> memref<1x128xi32, #tpu.memory_space<vmem>>
    %dma_start3A_744 = tpu.memref_squeeze %dma_start3A_743 : memref<1x128xi32, #tpu.memory_space<vmem>> -> memref<128xi32, #tpu.memory_space<vmem>>
    %dma_start3A_745 = arith.constant 0 : i32
    %dma_start3A_746 = arith.constant 0 : i32
    %dma_start3A_747 = tpu.memref_slice %arg6[%dma_start3A_745, %dma_start3A_746] : memref<7813x128xf32, #tpu.memory_space<hbm>> -> memref<7813x128xf32, #tpu.memory_space<hbm>>
    tpu.enqueue_indirect_dma source(%dma_start3A_747 : memref<7813x128xf32, #tpu.memory_space<hbm>>) target(%dma_start3A_741 : memref<128x128xf32, #tpu.memory_space<vmem>>) offsets(%dma_start3A_744 : memref<128xi32, #tpu.memory_space<vmem>>) semaphore(%arg16 : memref<!tpu.dma_semaphore, #tpu.memory_space<semaphore_mem>>)
    %dma_start3A_748 = arith.constant 3 : i32
    %dma_start3A_749 = arith.constant 384 : i32
    %dma_start3A_750 = arith.constant 0 : i32
    %dma_start3A_751 = tpu.memref_slice %arg15[%dma_start3A_749, %dma_start3A_750] : memref<512x128xf32, #tpu.memory_space<vmem>> -> memref<128x128xf32, #tpu.memory_space<vmem>>
    %dma_start3A_752 = arith.constant 0 : i32
    %dma_start3A_753 = tpu.memref_slice %arg14[%dma_start3A_748, %dma_start3A_752] : memref<4x128xi32, #tpu.memory_space<vmem>> -> memref<1x128xi32, #tpu.memory_space<vmem>>
    %dma_start3A_754 = tpu.memref_squeeze %dma_start3A_753 : memref<1x128xi32, #tpu.memory_space<vmem>> -> memref<128xi32, #tpu.memory_space<vmem>>
    %dma_start3A_755 = arith.constant 0 : i32
    %dma_start3A_756 = arith.constant 0 : i32
    %dma_start3A_757 = tpu.memref_slice %arg6[%dma_start3A_755, %dma_start3A_756] : memref<7813x128xf32, #tpu.memory_space<hbm>> -> memref<7813x128xf32, #tpu.memory_space<hbm>>
    tpu.enqueue_indirect_dma source(%dma_start3A_757 : memref<7813x128xf32, #tpu.memory_space<hbm>>) target(%dma_start3A_751 : memref<128x128xf32, #tpu.memory_space<vmem>>) offsets(%dma_start3A_754 : memref<128xi32, #tpu.memory_space<vmem>>) semaphore(%arg16 : memref<!tpu.dma_semaphore, #tpu.memory_space<semaphore_mem>>)
    %dma_wait3A_758 = arith.constant 0 : i32
    %dma_wait3A_759 = arith.constant 0 : i32
    %dma_wait3A_760 = arith.constant 0 : i32
    %dma_wait3A_761 = tpu.memref_slice %arg15[%dma_wait3A_759, %dma_wait3A_760] : memref<512x128xf32, #tpu.memory_space<vmem>> -> memref<128x128xf32, #tpu.memory_space<vmem>>
    %dma_wait3A_762 = arith.constant 0 : i32
    %dma_wait3A_763 = tpu.memref_slice %arg14[%dma_wait3A_758, %dma_wait3A_762] : memref<4x128xi32, #tpu.memory_space<vmem>> -> memref<1x128xi32, #tpu.memory_space<vmem>>
    %dma_wait3A_764 = tpu.memref_squeeze %dma_wait3A_763 : memref<1x128xi32, #tpu.memory_space<vmem>> -> memref<128xi32, #tpu.memory_space<vmem>>
    %dma_wait3A_765 = arith.constant 0 : i32
    %dma_wait3A_766 = arith.constant 0 : i32
    %dma_wait3A_767 = tpu.memref_slice %arg6[%dma_wait3A_765, %dma_wait3A_766] : memref<7813x128xf32, #tpu.memory_space<hbm>> -> memref<7813x128xf32, #tpu.memory_space<hbm>>
    tpu.wait_indirect_dma semaphore(%arg16 : memref<!tpu.dma_semaphore, #tpu.memory_space<semaphore_mem>>) src(%dma_wait3A_767 : memref<7813x128xf32, #tpu.memory_space<hbm>>) dst(%dma_wait3A_761 : memref<128x128xf32, #tpu.memory_space<vmem>>)
    %dma_wait3A_768 = arith.constant 1 : i32
    %dma_wait3A_769 = arith.constant 128 : i32
    %dma_wait3A_770 = arith.constant 0 : i32
    %dma_wait3A_771 = tpu.memref_slice %arg15[%dma_wait3A_769, %dma_wait3A_770] : memref<512x128xf32, #tpu.memory_space<vmem>> -> memref<128x128xf32, #tpu.memory_space<vmem>>
    %dma_wait3A_772 = arith.constant 0 : i32
    %dma_wait3A_773 = tpu.memref_slice %arg14[%dma_wait3A_768, %dma_wait3A_772] : memref<4x128xi32, #tpu.memory_space<vmem>> -> memref<1x128xi32, #tpu.memory_space<vmem>>
    %dma_wait3A_774 = tpu.memref_squeeze %dma_wait3A_773 : memref<1x128xi32, #tpu.memory_space<vmem>> -> memref<128xi32, #tpu.memory_space<vmem>>
    %dma_wait3A_775 = arith.constant 0 : i32
    %dma_wait3A_776 = arith.constant 0 : i32
    %dma_wait3A_777 = tpu.memref_slice %arg6[%dma_wait3A_775, %dma_wait3A_776] : memref<7813x128xf32, #tpu.memory_space<hbm>> -> memref<7813x128xf32, #tpu.memory_space<hbm>>
    tpu.wait_indirect_dma semaphore(%arg16 : memref<!tpu.dma_semaphore, #tpu.memory_space<semaphore_mem>>) src(%dma_wait3A_777 : memref<7813x128xf32, #tpu.memory_space<hbm>>) dst(%dma_wait3A_771 : memref<128x128xf32, #tpu.memory_space<vmem>>)
    %dma_wait3A_778 = arith.constant 2 : i32
    %dma_wait3A_779 = arith.constant 256 : i32
    %dma_wait3A_780 = arith.constant 0 : i32
    %dma_wait3A_781 = tpu.memref_slice %arg15[%dma_wait3A_779, %dma_wait3A_780] : memref<512x128xf32, #tpu.memory_space<vmem>> -> memref<128x128xf32, #tpu.memory_space<vmem>>
    %dma_wait3A_782 = arith.constant 0 : i32
    %dma_wait3A_783 = tpu.memref_slice %arg14[%dma_wait3A_778, %dma_wait3A_782] : memref<4x128xi32, #tpu.memory_space<vmem>> -> memref<1x128xi32, #tpu.memory_space<vmem>>
    %dma_wait3A_784 = tpu.memref_squeeze %dma_wait3A_783 : memref<1x128xi32, #tpu.memory_space<vmem>> -> memref<128xi32, #tpu.memory_space<vmem>>
    %dma_wait3A_785 = arith.constant 0 : i32
    %dma_wait3A_786 = arith.constant 0 : i32
    %dma_wait3A_787 = tpu.memref_slice %arg6[%dma_wait3A_785, %dma_wait3A_786] : memref<7813x128xf32, #tpu.memory_space<hbm>> -> memref<7813x128xf32, #tpu.memory_space<hbm>>
    tpu.wait_indirect_dma semaphore(%arg16 : memref<!tpu.dma_semaphore, #tpu.memory_space<semaphore_mem>>) src(%dma_wait3A_787 : memref<7813x128xf32, #tpu.memory_space<hbm>>) dst(%dma_wait3A_781 : memref<128x128xf32, #tpu.memory_space<vmem>>)
    %dma_wait3A_788 = arith.constant 3 : i32
    %dma_wait3A_789 = arith.constant 384 : i32
    %dma_wait3A_790 = arith.constant 0 : i32
    %dma_wait3A_791 = tpu.memref_slice %arg15[%dma_wait3A_789, %dma_wait3A_790] : memref<512x128xf32, #tpu.memory_space<vmem>> -> memref<128x128xf32, #tpu.memory_space<vmem>>
    %dma_wait3A_792 = arith.constant 0 : i32
    %dma_wait3A_793 = tpu.memref_slice %arg14[%dma_wait3A_788, %dma_wait3A_792] : memref<4x128xi32, #tpu.memory_space<vmem>> -> memref<1x128xi32, #tpu.memory_space<vmem>>
    %dma_wait3A_794 = tpu.memref_squeeze %dma_wait3A_793 : memref<1x128xi32, #tpu.memory_space<vmem>> -> memref<128xi32, #tpu.memory_space<vmem>>
    %dma_wait3A_795 = arith.constant 0 : i32
    %dma_wait3A_796 = arith.constant 0 : i32
    %dma_wait3A_797 = tpu.memref_slice %arg6[%dma_wait3A_795, %dma_wait3A_796] : memref<7813x128xf32, #tpu.memory_space<hbm>> -> memref<7813x128xf32, #tpu.memory_space<hbm>>
    tpu.wait_indirect_dma semaphore(%arg16 : memref<!tpu.dma_semaphore, #tpu.memory_space<semaphore_mem>>) src(%dma_wait3A_797 : memref<7813x128xf32, #tpu.memory_space<hbm>>) dst(%dma_wait3A_791 : memref<128x128xf32, #tpu.memory_space<vmem>>)
    "tpu.region"() ({
      %run_scoped3A = tpu.sem_alloc : memref<!tpu.dma_semaphore, #tpu.memory_space<semaphore_mem>>
      %dma_start3A_1422 = arith.constant 0 : i32
      %dma_start3A_1423 = tpu.memref_slice %arg10[%mul3A_2, %dma_start3A_1422] : memref<16384x128xf32, #tpu.memory_space<hbm>> -> memref<512x128xf32, #tpu.memory_space<hbm>>
      %dma_start3A_1424 = arith.constant 0 : i32
      %dma_start3A_1425 = tpu.memref_slice %arg10[%mul3A_2, %dma_start3A_1424] : memref<16384x128xf32, #tpu.memory_space<hbm>> -> memref<512x128xf32, #tpu.memory_space<hbm>>
      tpu.enqueue_dma source(%arg15 : memref<512x128xf32, #tpu.memory_space<vmem>>) target(%dma_start3A_1425 : memref<512x128xf32, #tpu.memory_space<hbm>>) target_semaphore(%run_scoped3A : memref<!tpu.dma_semaphore, #tpu.memory_space<semaphore_mem>>)
      %dma_wait3A_1426 = arith.constant 0 : i32
      %dma_wait3A_1427 = tpu.memref_slice %arg10[%mul3A_2, %dma_wait3A_1426] : memref<16384x128xf32, #tpu.memory_space<hbm>> -> memref<512x128xf32, #tpu.memory_space<hbm>>
      %dma_wait3A_1428 = arith.constant 0 : i32
      %dma_wait3A_1429 = tpu.memref_slice %arg10[%mul3A_2, %dma_wait3A_1428] : memref<16384x128xf32, #tpu.memory_space<hbm>> -> memref<512x128xf32, #tpu.memory_space<hbm>>
      tpu.wait_dma2 semaphore(%run_scoped3A : memref<!tpu.dma_semaphore, #tpu.memory_space<semaphore_mem>>) src(%arg15 : memref<512x128xf32, #tpu.memory_space<vmem>>) dst(%dma_wait3A_1429 : memref<512x128xf32, #tpu.memory_space<hbm>>)
      tpu.yield
    }) : () -> ()
    %mul3A_798 = arith.constant 4 : i32
    %mul3A_799 = arith.muli %add3A, %mul3A_798 : i32
    %add3A_800 = arith.constant 0 : i32
    %add3A_801 = arith.addi %mul3A_799, %add3A_800 : i32
    %get3A_802 = arith.index_cast %add3A_801 : i32 to index
    %get3A_803 = arith.constant 0 : index
    %get3A_804 = tpu.vector_load %arg13[%get3A_802, %get3A_803] {strides = array<i32>} : memref<128x128xi32, #tpu.memory_space<vmem>>, vector<1x16xi32>,
    %get3A_805 = vector.shape_cast %get3A_804 : vector<1x16xi32> to vector<16xi32>
    %shift_right_arithmetic3A_806 = arith.constant 5 : i32
    %shift_right_arithmetic3A_807 = vector.broadcast %shift_right_arithmetic3A_806 : i32 to vector<16xi32>
    %shift_right_arithmetic3A_808 = arith.shrsi %get3A_805, %shift_right_arithmetic3A_807 : vector<16xi32>
    %swap3A_809 = arith.constant 0 : i32
    %swap3A_810 = arith.index_cast %swap3A_809 : i32 to index
    %swap3A_811 = arith.constant 0 : index
    %swap3A_812 = tpu.vector_load %arg14[%swap3A_810, %swap3A_811] {strides = array<i32>} : memref<4x128xi32, #tpu.memory_space<vmem>>, vector<1x16xi32>,
    %swap3A_813 = vector.shape_cast %swap3A_812 : vector<1x16xi32> to vector<16xi32>
    %swap3A_814 = vector.shape_cast %shift_right_arithmetic3A_808 : vector<16xi32> to vector<1x16xi32>
    tpu.vector_store %arg14[%swap3A_810, %swap3A_811], %swap3A_814 {strides = array<i32>} : memref<4x128xi32, #tpu.memory_space<vmem>>, vector<1x16xi32>,
    %mul3A_815 = arith.constant 4 : i32
    %mul3A_816 = arith.muli %add3A, %mul3A_815 : i32
    %add3A_817 = arith.constant 0 : i32
    %add3A_818 = arith.addi %mul3A_816, %add3A_817 : i32
    %get3A_819 = arith.index_cast %add3A_818 : i32 to index
    %get3A_820 = arith.constant 16 : index
    %get3A_821 = tpu.vector_load %arg13[%get3A_819, %get3A_820] {strides = array<i32>} : memref<128x128xi32, #tpu.memory_space<vmem>>, vector<1x16xi32>,
    %get3A_822 = vector.shape_cast %get3A_821 : vector<1x16xi32> to vector<16xi32>
    %shift_right_arithmetic3A_823 = arith.constant 5 : i32
    %shift_right_arithmetic3A_824 = vector.broadcast %shift_right_arithmetic3A_823 : i32 to vector<16xi32>
    %shift_right_arithmetic3A_825 = arith.shrsi %get3A_822, %shift_right_arithmetic3A_824 : vector<16xi32>
    %swap3A_826 = arith.constant 0 : i32
    %swap3A_827 = arith.index_cast %swap3A_826 : i32 to index
    %swap3A_828 = arith.constant 16 : index
    %swap3A_829 = tpu.vector_load %arg14[%swap3A_827, %swap3A_828] {strides = array<i32>} : memref<4x128xi32, #tpu.memory_space<vmem>>, vector<1x16xi32>,
    %swap3A_830 = vector.shape_cast %swap3A_829 : vector<1x16xi32> to vector<16xi32>
    %swap3A_831 = vector.shape_cast %shift_right_arithmetic3A_825 : vector<16xi32> to vector<1x16xi32>
    tpu.vector_store %arg14[%swap3A_827, %swap3A_828], %swap3A_831 {strides = array<i32>} : memref<4x128xi32, #tpu.memory_space<vmem>>, vector<1x16xi32>,
    %mul3A_832 = arith.constant 4 : i32
    %mul3A_833 = arith.muli %add3A, %mul3A_832 : i32
    %add3A_834 = arith.constant 0 : i32
    %add3A_835 = arith.addi %mul3A_833, %add3A_834 : i32
    %get3A_836 = arith.index_cast %add3A_835 : i32 to index
    %get3A_837 = arith.constant 32 : index
    %get3A_838 = tpu.vector_load %arg13[%get3A_836, %get3A_837] {strides = array<i32>} : memref<128x128xi32, #tpu.memory_space<vmem>>, vector<1x16xi32>,
    %get3A_839 = vector.shape_cast %get3A_838 : vector<1x16xi32> to vector<16xi32>
    %shift_right_arithmetic3A_840 = arith.constant 5 : i32
    %shift_right_arithmetic3A_841 = vector.broadcast %shift_right_arithmetic3A_840 : i32 to vector<16xi32>
    %shift_right_arithmetic3A_842 = arith.shrsi %get3A_839, %shift_right_arithmetic3A_841 : vector<16xi32>
    %swap3A_843 = arith.constant 0 : i32
    %swap3A_844 = arith.index_cast %swap3A_843 : i32 to index
    %swap3A_845 = arith.constant 32 : index
    %swap3A_846 = tpu.vector_load %arg14[%swap3A_844, %swap3A_845] {strides = array<i32>} : memref<4x128xi32, #tpu.memory_space<vmem>>, vector<1x16xi32>,
    %swap3A_847 = vector.shape_cast %swap3A_846 : vector<1x16xi32> to vector<16xi32>
    %swap3A_848 = vector.shape_cast %shift_right_arithmetic3A_842 : vector<16xi32> to vector<1x16xi32>
    tpu.vector_store %arg14[%swap3A_844, %swap3A_845], %swap3A_848 {strides = array<i32>} : memref<4x128xi32, #tpu.memory_space<vmem>>, vector<1x16xi32>,
    %mul3A_849 = arith.constant 4 : i32
    %mul3A_850 = arith.muli %add3A, %mul3A_849 : i32
    %add3A_851 = arith.constant 0 : i32
    %add3A_852 = arith.addi %mul3A_850, %add3A_851 : i32
    %get3A_853 = arith.index_cast %add3A_852 : i32 to index
    %get3A_854 = arith.constant 48 : index
    %get3A_855 = tpu.vector_load %arg13[%get3A_853, %get3A_854] {strides = array<i32>} : memref<128x128xi32, #tpu.memory_space<vmem>>, vector<1x16xi32>,
    %get3A_856 = vector.shape_cast %get3A_855 : vector<1x16xi32> to vector<16xi32>
    %shift_right_arithmetic3A_857 = arith.constant 5 : i32
    %shift_right_arithmetic3A_858 = vector.broadcast %shift_right_arithmetic3A_857 : i32 to vector<16xi32>
    %shift_right_arithmetic3A_859 = arith.shrsi %get3A_856, %shift_right_arithmetic3A_858 : vector<16xi32>
    %swap3A_860 = arith.constant 0 : i32
    %swap3A_861 = arith.index_cast %swap3A_860 : i32 to index
    %swap3A_862 = arith.constant 48 : index
    %swap3A_863 = tpu.vector_load %arg14[%swap3A_861, %swap3A_862] {strides = array<i32>} : memref<4x128xi32, #tpu.memory_space<vmem>>, vector<1x16xi32>,
    %swap3A_864 = vector.shape_cast %swap3A_863 : vector<1x16xi32> to vector<16xi32>
    %swap3A_865 = vector.shape_cast %shift_right_arithmetic3A_859 : vector<16xi32> to vector<1x16xi32>
    tpu.vector_store %arg14[%swap3A_861, %swap3A_862], %swap3A_865 {strides = array<i32>} : memref<4x128xi32, #tpu.memory_space<vmem>>, vector<1x16xi32>,
    %mul3A_866 = arith.constant 4 : i32
    %mul3A_867 = arith.muli %add3A, %mul3A_866 : i32
    %add3A_868 = arith.constant 0 : i32
    %add3A_869 = arith.addi %mul3A_867, %add3A_868 : i32
    %get3A_870 = arith.index_cast %add3A_869 : i32 to index
    %get3A_871 = arith.constant 64 : index
    %get3A_872 = tpu.vector_load %arg13[%get3A_870, %get3A_871] {strides = array<i32>} : memref<128x128xi32, #tpu.memory_space<vmem>>, vector<1x16xi32>,
    %get3A_873 = vector.shape_cast %get3A_872 : vector<1x16xi32> to vector<16xi32>
    %shift_right_arithmetic3A_874 = arith.constant 5 : i32
    %shift_right_arithmetic3A_875 = vector.broadcast %shift_right_arithmetic3A_874 : i32 to vector<16xi32>
    %shift_right_arithmetic3A_876 = arith.shrsi %get3A_873, %shift_right_arithmetic3A_875 : vector<16xi32>
    %swap3A_877 = arith.constant 0 : i32
    %swap3A_878 = arith.index_cast %swap3A_877 : i32 to index
    %swap3A_879 = arith.constant 64 : index
    %swap3A_880 = tpu.vector_load %arg14[%swap3A_878, %swap3A_879] {strides = array<i32>} : memref<4x128xi32, #tpu.memory_space<vmem>>, vector<1x16xi32>,
    %swap3A_881 = vector.shape_cast %swap3A_880 : vector<1x16xi32> to vector<16xi32>
    %swap3A_882 = vector.shape_cast %shift_right_arithmetic3A_876 : vector<16xi32> to vector<1x16xi32>
    tpu.vector_store %arg14[%swap3A_878, %swap3A_879], %swap3A_882 {strides = array<i32>} : memref<4x128xi32, #tpu.memory_space<vmem>>, vector<1x16xi32>,
    %mul3A_883 = arith.constant 4 : i32
    %mul3A_884 = arith.muli %add3A, %mul3A_883 : i32
    %add3A_885 = arith.constant 0 : i32
    %add3A_886 = arith.addi %mul3A_884, %add3A_885 : i32
    %get3A_887 = arith.index_cast %add3A_886 : i32 to index
    %get3A_888 = arith.constant 80 : index
    %get3A_889 = tpu.vector_load %arg13[%get3A_887, %get3A_888] {strides = array<i32>} : memref<128x128xi32, #tpu.memory_space<vmem>>, vector<1x16xi32>,
    %get3A_890 = vector.shape_cast %get3A_889 : vector<1x16xi32> to vector<16xi32>
    %shift_right_arithmetic3A_891 = arith.constant 5 : i32
    %shift_right_arithmetic3A_892 = vector.broadcast %shift_right_arithmetic3A_891 : i32 to vector<16xi32>
    %shift_right_arithmetic3A_893 = arith.shrsi %get3A_890, %shift_right_arithmetic3A_892 : vector<16xi32>
    %swap3A_894 = arith.constant 0 : i32
    %swap3A_895 = arith.index_cast %swap3A_894 : i32 to index
    %swap3A_896 = arith.constant 80 : index
    %swap3A_897 = tpu.vector_load %arg14[%swap3A_895, %swap3A_896] {strides = array<i32>} : memref<4x128xi32, #tpu.memory_space<vmem>>, vector<1x16xi32>,
    %swap3A_898 = vector.shape_cast %swap3A_897 : vector<1x16xi32> to vector<16xi32>
    %swap3A_899 = vector.shape_cast %shift_right_arithmetic3A_893 : vector<16xi32> to vector<1x16xi32>
    tpu.vector_store %arg14[%swap3A_895, %swap3A_896], %swap3A_899 {strides = array<i32>} : memref<4x128xi32, #tpu.memory_space<vmem>>, vector<1x16xi32>,
    %mul3A_900 = arith.constant 4 : i32
    %mul3A_901 = arith.muli %add3A, %mul3A_900 : i32
    %add3A_902 = arith.constant 0 : i32
    %add3A_903 = arith.addi %mul3A_901, %add3A_902 : i32
    %get3A_904 = arith.index_cast %add3A_903 : i32 to index
    %get3A_905 = arith.constant 96 : index
    %get3A_906 = tpu.vector_load %arg13[%get3A_904, %get3A_905] {strides = array<i32>} : memref<128x128xi32, #tpu.memory_space<vmem>>, vector<1x16xi32>,
    %get3A_907 = vector.shape_cast %get3A_906 : vector<1x16xi32> to vector<16xi32>
    %shift_right_arithmetic3A_908 = arith.constant 5 : i32
    %shift_right_arithmetic3A_909 = vector.broadcast %shift_right_arithmetic3A_908 : i32 to vector<16xi32>
    %shift_right_arithmetic3A_910 = arith.shrsi %get3A_907, %shift_right_arithmetic3A_909 : vector<16xi32>
    %swap3A_911 = arith.constant 0 : i32
    %swap3A_912 = arith.index_cast %swap3A_911 : i32 to index
    %swap3A_913 = arith.constant 96 : index
    %swap3A_914 = tpu.vector_load %arg14[%swap3A_912, %swap3A_913] {strides = array<i32>} : memref<4x128xi32, #tpu.memory_space<vmem>>, vector<1x16xi32>,
    %swap3A_915 = vector.shape_cast %swap3A_914 : vector<1x16xi32> to vector<16xi32>
    %swap3A_916 = vector.shape_cast %shift_right_arithmetic3A_910 : vector<16xi32> to vector<1x16xi32>
    tpu.vector_store %arg14[%swap3A_912, %swap3A_913], %swap3A_916 {strides = array<i32>} : memref<4x128xi32, #tpu.memory_space<vmem>>, vector<1x16xi32>,
    %mul3A_917 = arith.constant 4 : i32
    %mul3A_918 = arith.muli %add3A, %mul3A_917 : i32
    %add3A_919 = arith.constant 0 : i32
    %add3A_920 = arith.addi %mul3A_918, %add3A_919 : i32
    %get3A_921 = arith.index_cast %add3A_920 : i32 to index
    %get3A_922 = arith.constant 112 : index
    %get3A_923 = tpu.vector_load %arg13[%get3A_921, %get3A_922] {strides = array<i32>} : memref<128x128xi32, #tpu.memory_space<vmem>>, vector<1x16xi32>,
    %get3A_924 = vector.shape_cast %get3A_923 : vector<1x16xi32> to vector<16xi32>
    %shift_right_arithmetic3A_925 = arith.constant 5 : i32
    %shift_right_arithmetic3A_926 = vector.broadcast %shift_right_arithmetic3A_925 : i32 to vector<16xi32>
    %shift_right_arithmetic3A_927 = arith.shrsi %get3A_924, %shift_right_arithmetic3A_926 : vector<16xi32>
    %swap3A_928 = arith.constant 0 : i32
    %swap3A_929 = arith.index_cast %swap3A_928 : i32 to index
    %swap3A_930 = arith.constant 112 : index
    %swap3A_931 = tpu.vector_load %arg14[%swap3A_929, %swap3A_930] {strides = array<i32>} : memref<4x128xi32, #tpu.memory_space<vmem>>, vector<1x16xi32>,
    %swap3A_932 = vector.shape_cast %swap3A_931 : vector<1x16xi32> to vector<16xi32>
    %swap3A_933 = vector.shape_cast %shift_right_arithmetic3A_927 : vector<16xi32> to vector<1x16xi32>
    tpu.vector_store %arg14[%swap3A_929, %swap3A_930], %swap3A_933 {strides = array<i32>} : memref<4x128xi32, #tpu.memory_space<vmem>>, vector<1x16xi32>,
    %mul3A_934 = arith.constant 4 : i32
    %mul3A_935 = arith.muli %add3A, %mul3A_934 : i32
    %add3A_936 = arith.constant 1 : i32
    %add3A_937 = arith.addi %mul3A_935, %add3A_936 : i32
    %get3A_938 = arith.index_cast %add3A_937 : i32 to index
    %get3A_939 = arith.constant 0 : index
    %get3A_940 = tpu.vector_load %arg13[%get3A_938, %get3A_939] {strides = array<i32>} : memref<128x128xi32, #tpu.memory_space<vmem>>, vector<1x16xi32>,
    %get3A_941 = vector.shape_cast %get3A_940 : vector<1x16xi32> to vector<16xi32>
    %shift_right_arithmetic3A_942 = arith.constant 5 : i32
    %shift_right_arithmetic3A_943 = vector.broadcast %shift_right_arithmetic3A_942 : i32 to vector<16xi32>
    %shift_right_arithmetic3A_944 = arith.shrsi %get3A_941, %shift_right_arithmetic3A_943 : vector<16xi32>
    %swap3A_945 = arith.constant 1 : i32
    %swap3A_946 = arith.index_cast %swap3A_945 : i32 to index
    %swap3A_947 = arith.constant 0 : index
    %swap3A_948 = tpu.vector_load %arg14[%swap3A_946, %swap3A_947] {strides = array<i32>} : memref<4x128xi32, #tpu.memory_space<vmem>>, vector<1x16xi32>,
    %swap3A_949 = vector.shape_cast %swap3A_948 : vector<1x16xi32> to vector<16xi32>
    %swap3A_950 = vector.shape_cast %shift_right_arithmetic3A_944 : vector<16xi32> to vector<1x16xi32>
    tpu.vector_store %arg14[%swap3A_946, %swap3A_947], %swap3A_950 {strides = array<i32>} : memref<4x128xi32, #tpu.memory_space<vmem>>, vector<1x16xi32>,
    %mul3A_951 = arith.constant 4 : i32
    %mul3A_952 = arith.muli %add3A, %mul3A_951 : i32
    %add3A_953 = arith.constant 1 : i32
    %add3A_954 = arith.addi %mul3A_952, %add3A_953 : i32
    %get3A_955 = arith.index_cast %add3A_954 : i32 to index
    %get3A_956 = arith.constant 16 : index
    %get3A_957 = tpu.vector_load %arg13[%get3A_955, %get3A_956] {strides = array<i32>} : memref<128x128xi32, #tpu.memory_space<vmem>>, vector<1x16xi32>,
    %get3A_958 = vector.shape_cast %get3A_957 : vector<1x16xi32> to vector<16xi32>
    %shift_right_arithmetic3A_959 = arith.constant 5 : i32
    %shift_right_arithmetic3A_960 = vector.broadcast %shift_right_arithmetic3A_959 : i32 to vector<16xi32>
    %shift_right_arithmetic3A_961 = arith.shrsi %get3A_958, %shift_right_arithmetic3A_960 : vector<16xi32>
    %swap3A_962 = arith.constant 1 : i32
    %swap3A_963 = arith.index_cast %swap3A_962 : i32 to index
    %swap3A_964 = arith.constant 16 : index
    %swap3A_965 = tpu.vector_load %arg14[%swap3A_963, %swap3A_964] {strides = array<i32>} : memref<4x128xi32, #tpu.memory_space<vmem>>, vector<1x16xi32>,
    %swap3A_966 = vector.shape_cast %swap3A_965 : vector<1x16xi32> to vector<16xi32>
    %swap3A_967 = vector.shape_cast %shift_right_arithmetic3A_961 : vector<16xi32> to vector<1x16xi32>
    tpu.vector_store %arg14[%swap3A_963, %swap3A_964], %swap3A_967 {strides = array<i32>} : memref<4x128xi32, #tpu.memory_space<vmem>>, vector<1x16xi32>,
    %mul3A_968 = arith.constant 4 : i32
    %mul3A_969 = arith.muli %add3A, %mul3A_968 : i32
    %add3A_970 = arith.constant 1 : i32
    %add3A_971 = arith.addi %mul3A_969, %add3A_970 : i32
    %get3A_972 = arith.index_cast %add3A_971 : i32 to index
    %get3A_973 = arith.constant 32 : index
    %get3A_974 = tpu.vector_load %arg13[%get3A_972, %get3A_973] {strides = array<i32>} : memref<128x128xi32, #tpu.memory_space<vmem>>, vector<1x16xi32>,
    %get3A_975 = vector.shape_cast %get3A_974 : vector<1x16xi32> to vector<16xi32>
    %shift_right_arithmetic3A_976 = arith.constant 5 : i32
    %shift_right_arithmetic3A_977 = vector.broadcast %shift_right_arithmetic3A_976 : i32 to vector<16xi32>
    %shift_right_arithmetic3A_978 = arith.shrsi %get3A_975, %shift_right_arithmetic3A_977 : vector<16xi32>
    %swap3A_979 = arith.constant 1 : i32
    %swap3A_980 = arith.index_cast %swap3A_979 : i32 to index
    %swap3A_981 = arith.constant 32 : index
    %swap3A_982 = tpu.vector_load %arg14[%swap3A_980, %swap3A_981] {strides = array<i32>} : memref<4x128xi32, #tpu.memory_space<vmem>>, vector<1x16xi32>,
    %swap3A_983 = vector.shape_cast %swap3A_982 : vector<1x16xi32> to vector<16xi32>
    %swap3A_984 = vector.shape_cast %shift_right_arithmetic3A_978 : vector<16xi32> to vector<1x16xi32>
    tpu.vector_store %arg14[%swap3A_980, %swap3A_981], %swap3A_984 {strides = array<i32>} : memref<4x128xi32, #tpu.memory_space<vmem>>, vector<1x16xi32>,
    %mul3A_985 = arith.constant 4 : i32
    %mul3A_986 = arith.muli %add3A, %mul3A_985 : i32
    %add3A_987 = arith.constant 1 : i32
    %add3A_988 = arith.addi %mul3A_986, %add3A_987 : i32
    %get3A_989 = arith.index_cast %add3A_988 : i32 to index
    %get3A_990 = arith.constant 48 : index
    %get3A_991 = tpu.vector_load %arg13[%get3A_989, %get3A_990] {strides = array<i32>} : memref<128x128xi32, #tpu.memory_space<vmem>>, vector<1x16xi32>,
    %get3A_992 = vector.shape_cast %get3A_991 : vector<1x16xi32> to vector<16xi32>
    %shift_right_arithmetic3A_993 = arith.constant 5 : i32
    %shift_right_arithmetic3A_994 = vector.broadcast %shift_right_arithmetic3A_993 : i32 to vector<16xi32>
    %shift_right_arithmetic3A_995 = arith.shrsi %get3A_992, %shift_right_arithmetic3A_994 : vector<16xi32>
    %swap3A_996 = arith.constant 1 : i32
    %swap3A_997 = arith.index_cast %swap3A_996 : i32 to index
    %swap3A_998 = arith.constant 48 : index
    %swap3A_999 = tpu.vector_load %arg14[%swap3A_997, %swap3A_998] {strides = array<i32>} : memref<4x128xi32, #tpu.memory_space<vmem>>, vector<1x16xi32>,
    %swap3A_1000 = vector.shape_cast %swap3A_999 : vector<1x16xi32> to vector<16xi32>
    %swap3A_1001 = vector.shape_cast %shift_right_arithmetic3A_995 : vector<16xi32> to vector<1x16xi32>
    tpu.vector_store %arg14[%swap3A_997, %swap3A_998], %swap3A_1001 {strides = array<i32>} : memref<4x128xi32, #tpu.memory_space<vmem>>, vector<1x16xi32>,
    %mul3A_1002 = arith.constant 4 : i32
    %mul3A_1003 = arith.muli %add3A, %mul3A_1002 : i32
    %add3A_1004 = arith.constant 1 : i32
    %add3A_1005 = arith.addi %mul3A_1003, %add3A_1004 : i32
    %get3A_1006 = arith.index_cast %add3A_1005 : i32 to index
    %get3A_1007 = arith.constant 64 : index
    %get3A_1008 = tpu.vector_load %arg13[%get3A_1006, %get3A_1007] {strides = array<i32>} : memref<128x128xi32, #tpu.memory_space<vmem>>, vector<1x16xi32>,
    %get3A_1009 = vector.shape_cast %get3A_1008 : vector<1x16xi32> to vector<16xi32>
    %shift_right_arithmetic3A_1010 = arith.constant 5 : i32
    %shift_right_arithmetic3A_1011 = vector.broadcast %shift_right_arithmetic3A_1010 : i32 to vector<16xi32>
    %shift_right_arithmetic3A_1012 = arith.shrsi %get3A_1009, %shift_right_arithmetic3A_1011 : vector<16xi32>
    %swap3A_1013 = arith.constant 1 : i32
    %swap3A_1014 = arith.index_cast %swap3A_1013 : i32 to index
    %swap3A_1015 = arith.constant 64 : index
    %swap3A_1016 = tpu.vector_load %arg14[%swap3A_1014, %swap3A_1015] {strides = array<i32>} : memref<4x128xi32, #tpu.memory_space<vmem>>, vector<1x16xi32>,
    %swap3A_1017 = vector.shape_cast %swap3A_1016 : vector<1x16xi32> to vector<16xi32>
    %swap3A_1018 = vector.shape_cast %shift_right_arithmetic3A_1012 : vector<16xi32> to vector<1x16xi32>
    tpu.vector_store %arg14[%swap3A_1014, %swap3A_1015], %swap3A_1018 {strides = array<i32>} : memref<4x128xi32, #tpu.memory_space<vmem>>, vector<1x16xi32>,
    %mul3A_1019 = arith.constant 4 : i32
    %mul3A_1020 = arith.muli %add3A, %mul3A_1019 : i32
    %add3A_1021 = arith.constant 1 : i32
    %add3A_1022 = arith.addi %mul3A_1020, %add3A_1021 : i32
    %get3A_1023 = arith.index_cast %add3A_1022 : i32 to index
    %get3A_1024 = arith.constant 80 : index
    %get3A_1025 = tpu.vector_load %arg13[%get3A_1023, %get3A_1024] {strides = array<i32>} : memref<128x128xi32, #tpu.memory_space<vmem>>, vector<1x16xi32>,
    %get3A_1026 = vector.shape_cast %get3A_1025 : vector<1x16xi32> to vector<16xi32>
    %shift_right_arithmetic3A_1027 = arith.constant 5 : i32
    %shift_right_arithmetic3A_1028 = vector.broadcast %shift_right_arithmetic3A_1027 : i32 to vector<16xi32>
    %shift_right_arithmetic3A_1029 = arith.shrsi %get3A_1026, %shift_right_arithmetic3A_1028 : vector<16xi32>
    %swap3A_1030 = arith.constant 1 : i32
    %swap3A_1031 = arith.index_cast %swap3A_1030 : i32 to index
    %swap3A_1032 = arith.constant 80 : index
    %swap3A_1033 = tpu.vector_load %arg14[%swap3A_1031, %swap3A_1032] {strides = array<i32>} : memref<4x128xi32, #tpu.memory_space<vmem>>, vector<1x16xi32>,
    %swap3A_1034 = vector.shape_cast %swap3A_1033 : vector<1x16xi32> to vector<16xi32>
    %swap3A_1035 = vector.shape_cast %shift_right_arithmetic3A_1029 : vector<16xi32> to vector<1x16xi32>
    tpu.vector_store %arg14[%swap3A_1031, %swap3A_1032], %swap3A_1035 {strides = array<i32>} : memref<4x128xi32, #tpu.memory_space<vmem>>, vector<1x16xi32>,
    %mul3A_1036 = arith.constant 4 : i32
    %mul3A_1037 = arith.muli %add3A, %mul3A_1036 : i32
    %add3A_1038 = arith.constant 1 : i32
    %add3A_1039 = arith.addi %mul3A_1037, %add3A_1038 : i32
    %get3A_1040 = arith.index_cast %add3A_1039 : i32 to index
    %get3A_1041 = arith.constant 96 : index
    %get3A_1042 = tpu.vector_load %arg13[%get3A_1040, %get3A_1041] {strides = array<i32>} : memref<128x128xi32, #tpu.memory_space<vmem>>, vector<1x16xi32>,
    %get3A_1043 = vector.shape_cast %get3A_1042 : vector<1x16xi32> to vector<16xi32>
    %shift_right_arithmetic3A_1044 = arith.constant 5 : i32
    %shift_right_arithmetic3A_1045 = vector.broadcast %shift_right_arithmetic3A_1044 : i32 to vector<16xi32>
    %shift_right_arithmetic3A_1046 = arith.shrsi %get3A_1043, %shift_right_arithmetic3A_1045 : vector<16xi32>
    %swap3A_1047 = arith.constant 1 : i32
    %swap3A_1048 = arith.index_cast %swap3A_1047 : i32 to index
    %swap3A_1049 = arith.constant 96 : index
    %swap3A_1050 = tpu.vector_load %arg14[%swap3A_1048, %swap3A_1049] {strides = array<i32>} : memref<4x128xi32, #tpu.memory_space<vmem>>, vector<1x16xi32>,
    %swap3A_1051 = vector.shape_cast %swap3A_1050 : vector<1x16xi32> to vector<16xi32>
    %swap3A_1052 = vector.shape_cast %shift_right_arithmetic3A_1046 : vector<16xi32> to vector<1x16xi32>
    tpu.vector_store %arg14[%swap3A_1048, %swap3A_1049], %swap3A_1052 {strides = array<i32>} : memref<4x128xi32, #tpu.memory_space<vmem>>, vector<1x16xi32>,
    %mul3A_1053 = arith.constant 4 : i32
    %mul3A_1054 = arith.muli %add3A, %mul3A_1053 : i32
    %add3A_1055 = arith.constant 1 : i32
    %add3A_1056 = arith.addi %mul3A_1054, %add3A_1055 : i32
    %get3A_1057 = arith.index_cast %add3A_1056 : i32 to index
    %get3A_1058 = arith.constant 112 : index
    %get3A_1059 = tpu.vector_load %arg13[%get3A_1057, %get3A_1058] {strides = array<i32>} : memref<128x128xi32, #tpu.memory_space<vmem>>, vector<1x16xi32>,
    %get3A_1060 = vector.shape_cast %get3A_1059 : vector<1x16xi32> to vector<16xi32>
    %shift_right_arithmetic3A_1061 = arith.constant 5 : i32
    %shift_right_arithmetic3A_1062 = vector.broadcast %shift_right_arithmetic3A_1061 : i32 to vector<16xi32>
    %shift_right_arithmetic3A_1063 = arith.shrsi %get3A_1060, %shift_right_arithmetic3A_1062 : vector<16xi32>
    %swap3A_1064 = arith.constant 1 : i32
    %swap3A_1065 = arith.index_cast %swap3A_1064 : i32 to index
    %swap3A_1066 = arith.constant 112 : index
    %swap3A_1067 = tpu.vector_load %arg14[%swap3A_1065, %swap3A_1066] {strides = array<i32>} : memref<4x128xi32, #tpu.memory_space<vmem>>, vector<1x16xi32>,
    %swap3A_1068 = vector.shape_cast %swap3A_1067 : vector<1x16xi32> to vector<16xi32>
    %swap3A_1069 = vector.shape_cast %shift_right_arithmetic3A_1063 : vector<16xi32> to vector<1x16xi32>
    tpu.vector_store %arg14[%swap3A_1065, %swap3A_1066], %swap3A_1069 {strides = array<i32>} : memref<4x128xi32, #tpu.memory_space<vmem>>, vector<1x16xi32>,
    %mul3A_1070 = arith.constant 4 : i32
    %mul3A_1071 = arith.muli %add3A, %mul3A_1070 : i32
    %add3A_1072 = arith.constant 2 : i32
    %add3A_1073 = arith.addi %mul3A_1071, %add3A_1072 : i32
    %get3A_1074 = arith.index_cast %add3A_1073 : i32 to index
    %get3A_1075 = arith.constant 0 : index
    %get3A_1076 = tpu.vector_load %arg13[%get3A_1074, %get3A_1075] {strides = array<i32>} : memref<128x128xi32, #tpu.memory_space<vmem>>, vector<1x16xi32>,
    %get3A_1077 = vector.shape_cast %get3A_1076 : vector<1x16xi32> to vector<16xi32>
    %shift_right_arithmetic3A_1078 = arith.constant 5 : i32
    %shift_right_arithmetic3A_1079 = vector.broadcast %shift_right_arithmetic3A_1078 : i32 to vector<16xi32>
    %shift_right_arithmetic3A_1080 = arith.shrsi %get3A_1077, %shift_right_arithmetic3A_1079 : vector<16xi32>
    %swap3A_1081 = arith.constant 2 : i32
    %swap3A_1082 = arith.index_cast %swap3A_1081 : i32 to index
    %swap3A_1083 = arith.constant 0 : index
    %swap3A_1084 = tpu.vector_load %arg14[%swap3A_1082, %swap3A_1083] {strides = array<i32>} : memref<4x128xi32, #tpu.memory_space<vmem>>, vector<1x16xi32>,
    %swap3A_1085 = vector.shape_cast %swap3A_1084 : vector<1x16xi32> to vector<16xi32>
    %swap3A_1086 = vector.shape_cast %shift_right_arithmetic3A_1080 : vector<16xi32> to vector<1x16xi32>
    tpu.vector_store %arg14[%swap3A_1082, %swap3A_1083], %swap3A_1086 {strides = array<i32>} : memref<4x128xi32, #tpu.memory_space<vmem>>, vector<1x16xi32>,
    %mul3A_1087 = arith.constant 4 : i32
    %mul3A_1088 = arith.muli %add3A, %mul3A_1087 : i32
    %add3A_1089 = arith.constant 2 : i32
    %add3A_1090 = arith.addi %mul3A_1088, %add3A_1089 : i32
    %get3A_1091 = arith.index_cast %add3A_1090 : i32 to index
    %get3A_1092 = arith.constant 16 : index
    %get3A_1093 = tpu.vector_load %arg13[%get3A_1091, %get3A_1092] {strides = array<i32>} : memref<128x128xi32, #tpu.memory_space<vmem>>, vector<1x16xi32>,
    %get3A_1094 = vector.shape_cast %get3A_1093 : vector<1x16xi32> to vector<16xi32>
    %shift_right_arithmetic3A_1095 = arith.constant 5 : i32
    %shift_right_arithmetic3A_1096 = vector.broadcast %shift_right_arithmetic3A_1095 : i32 to vector<16xi32>
    %shift_right_arithmetic3A_1097 = arith.shrsi %get3A_1094, %shift_right_arithmetic3A_1096 : vector<16xi32>
    %swap3A_1098 = arith.constant 2 : i32
    %swap3A_1099 = arith.index_cast %swap3A_1098 : i32 to index
    %swap3A_1100 = arith.constant 16 : index
    %swap3A_1101 = tpu.vector_load %arg14[%swap3A_1099, %swap3A_1100] {strides = array<i32>} : memref<4x128xi32, #tpu.memory_space<vmem>>, vector<1x16xi32>,
    %swap3A_1102 = vector.shape_cast %swap3A_1101 : vector<1x16xi32> to vector<16xi32>
    %swap3A_1103 = vector.shape_cast %shift_right_arithmetic3A_1097 : vector<16xi32> to vector<1x16xi32>
    tpu.vector_store %arg14[%swap3A_1099, %swap3A_1100], %swap3A_1103 {strides = array<i32>} : memref<4x128xi32, #tpu.memory_space<vmem>>, vector<1x16xi32>,
    %mul3A_1104 = arith.constant 4 : i32
    %mul3A_1105 = arith.muli %add3A, %mul3A_1104 : i32
    %add3A_1106 = arith.constant 2 : i32
    %add3A_1107 = arith.addi %mul3A_1105, %add3A_1106 : i32
    %get3A_1108 = arith.index_cast %add3A_1107 : i32 to index
    %get3A_1109 = arith.constant 32 : index
    %get3A_1110 = tpu.vector_load %arg13[%get3A_1108, %get3A_1109] {strides = array<i32>} : memref<128x128xi32, #tpu.memory_space<vmem>>, vector<1x16xi32>,
    %get3A_1111 = vector.shape_cast %get3A_1110 : vector<1x16xi32> to vector<16xi32>
    %shift_right_arithmetic3A_1112 = arith.constant 5 : i32
    %shift_right_arithmetic3A_1113 = vector.broadcast %shift_right_arithmetic3A_1112 : i32 to vector<16xi32>
    %shift_right_arithmetic3A_1114 = arith.shrsi %get3A_1111, %shift_right_arithmetic3A_1113 : vector<16xi32>
    %swap3A_1115 = arith.constant 2 : i32
    %swap3A_1116 = arith.index_cast %swap3A_1115 : i32 to index
    %swap3A_1117 = arith.constant 32 : index
    %swap3A_1118 = tpu.vector_load %arg14[%swap3A_1116, %swap3A_1117] {strides = array<i32>} : memref<4x128xi32, #tpu.memory_space<vmem>>, vector<1x16xi32>,
    %swap3A_1119 = vector.shape_cast %swap3A_1118 : vector<1x16xi32> to vector<16xi32>
    %swap3A_1120 = vector.shape_cast %shift_right_arithmetic3A_1114 : vector<16xi32> to vector<1x16xi32>
    tpu.vector_store %arg14[%swap3A_1116, %swap3A_1117], %swap3A_1120 {strides = array<i32>} : memref<4x128xi32, #tpu.memory_space<vmem>>, vector<1x16xi32>,
    %mul3A_1121 = arith.constant 4 : i32
    %mul3A_1122 = arith.muli %add3A, %mul3A_1121 : i32
    %add3A_1123 = arith.constant 2 : i32
    %add3A_1124 = arith.addi %mul3A_1122, %add3A_1123 : i32
    %get3A_1125 = arith.index_cast %add3A_1124 : i32 to index
    %get3A_1126 = arith.constant 48 : index
    %get3A_1127 = tpu.vector_load %arg13[%get3A_1125, %get3A_1126] {strides = array<i32>} : memref<128x128xi32, #tpu.memory_space<vmem>>, vector<1x16xi32>,
    %get3A_1128 = vector.shape_cast %get3A_1127 : vector<1x16xi32> to vector<16xi32>
    %shift_right_arithmetic3A_1129 = arith.constant 5 : i32
    %shift_right_arithmetic3A_1130 = vector.broadcast %shift_right_arithmetic3A_1129 : i32 to vector<16xi32>
    %shift_right_arithmetic3A_1131 = arith.shrsi %get3A_1128, %shift_right_arithmetic3A_1130 : vector<16xi32>
    %swap3A_1132 = arith.constant 2 : i32
    %swap3A_1133 = arith.index_cast %swap3A_1132 : i32 to index
    %swap3A_1134 = arith.constant 48 : index
    %swap3A_1135 = tpu.vector_load %arg14[%swap3A_1133, %swap3A_1134] {strides = array<i32>} : memref<4x128xi32, #tpu.memory_space<vmem>>, vector<1x16xi32>,
    %swap3A_1136 = vector.shape_cast %swap3A_1135 : vector<1x16xi32> to vector<16xi32>
    %swap3A_1137 = vector.shape_cast %shift_right_arithmetic3A_1131 : vector<16xi32> to vector<1x16xi32>
    tpu.vector_store %arg14[%swap3A_1133, %swap3A_1134], %swap3A_1137 {strides = array<i32>} : memref<4x128xi32, #tpu.memory_space<vmem>>, vector<1x16xi32>,
    %mul3A_1138 = arith.constant 4 : i32
    %mul3A_1139 = arith.muli %add3A, %mul3A_1138 : i32
    %add3A_1140 = arith.constant 2 : i32
    %add3A_1141 = arith.addi %mul3A_1139, %add3A_1140 : i32
    %get3A_1142 = arith.index_cast %add3A_1141 : i32 to index
    %get3A_1143 = arith.constant 64 : index
    %get3A_1144 = tpu.vector_load %arg13[%get3A_1142, %get3A_1143] {strides = array<i32>} : memref<128x128xi32, #tpu.memory_space<vmem>>, vector<1x16xi32>,
    %get3A_1145 = vector.shape_cast %get3A_1144 : vector<1x16xi32> to vector<16xi32>
    %shift_right_arithmetic3A_1146 = arith.constant 5 : i32
    %shift_right_arithmetic3A_1147 = vector.broadcast %shift_right_arithmetic3A_1146 : i32 to vector<16xi32>
    %shift_right_arithmetic3A_1148 = arith.shrsi %get3A_1145, %shift_right_arithmetic3A_1147 : vector<16xi32>
    %swap3A_1149 = arith.constant 2 : i32
    %swap3A_1150 = arith.index_cast %swap3A_1149 : i32 to index
    %swap3A_1151 = arith.constant 64 : index
    %swap3A_1152 = tpu.vector_load %arg14[%swap3A_1150, %swap3A_1151] {strides = array<i32>} : memref<4x128xi32, #tpu.memory_space<vmem>>, vector<1x16xi32>,
    %swap3A_1153 = vector.shape_cast %swap3A_1152 : vector<1x16xi32> to vector<16xi32>
    %swap3A_1154 = vector.shape_cast %shift_right_arithmetic3A_1148 : vector<16xi32> to vector<1x16xi32>
    tpu.vector_store %arg14[%swap3A_1150, %swap3A_1151], %swap3A_1154 {strides = array<i32>} : memref<4x128xi32, #tpu.memory_space<vmem>>, vector<1x16xi32>,
    %mul3A_1155 = arith.constant 4 : i32
    %mul3A_1156 = arith.muli %add3A, %mul3A_1155 : i32
    %add3A_1157 = arith.constant 2 : i32
    %add3A_1158 = arith.addi %mul3A_1156, %add3A_1157 : i32
    %get3A_1159 = arith.index_cast %add3A_1158 : i32 to index
    %get3A_1160 = arith.constant 80 : index
    %get3A_1161 = tpu.vector_load %arg13[%get3A_1159, %get3A_1160] {strides = array<i32>} : memref<128x128xi32, #tpu.memory_space<vmem>>, vector<1x16xi32>,
    %get3A_1162 = vector.shape_cast %get3A_1161 : vector<1x16xi32> to vector<16xi32>
    %shift_right_arithmetic3A_1163 = arith.constant 5 : i32
    %shift_right_arithmetic3A_1164 = vector.broadcast %shift_right_arithmetic3A_1163 : i32 to vector<16xi32>
    %shift_right_arithmetic3A_1165 = arith.shrsi %get3A_1162, %shift_right_arithmetic3A_1164 : vector<16xi32>
    %swap3A_1166 = arith.constant 2 : i32
    %swap3A_1167 = arith.index_cast %swap3A_1166 : i32 to index
    %swap3A_1168 = arith.constant 80 : index
    %swap3A_1169 = tpu.vector_load %arg14[%swap3A_1167, %swap3A_1168] {strides = array<i32>} : memref<4x128xi32, #tpu.memory_space<vmem>>, vector<1x16xi32>,
    %swap3A_1170 = vector.shape_cast %swap3A_1169 : vector<1x16xi32> to vector<16xi32>
    %swap3A_1171 = vector.shape_cast %shift_right_arithmetic3A_1165 : vector<16xi32> to vector<1x16xi32>
    tpu.vector_store %arg14[%swap3A_1167, %swap3A_1168], %swap3A_1171 {strides = array<i32>} : memref<4x128xi32, #tpu.memory_space<vmem>>, vector<1x16xi32>,
    %mul3A_1172 = arith.constant 4 : i32
    %mul3A_1173 = arith.muli %add3A, %mul3A_1172 : i32
    %add3A_1174 = arith.constant 2 : i32
    %add3A_1175 = arith.addi %mul3A_1173, %add3A_1174 : i32
    %get3A_1176 = arith.index_cast %add3A_1175 : i32 to index
    %get3A_1177 = arith.constant 96 : index
    %get3A_1178 = tpu.vector_load %arg13[%get3A_1176, %get3A_1177] {strides = array<i32>} : memref<128x128xi32, #tpu.memory_space<vmem>>, vector<1x16xi32>,
    %get3A_1179 = vector.shape_cast %get3A_1178 : vector<1x16xi32> to vector<16xi32>
    %shift_right_arithmetic3A_1180 = arith.constant 5 : i32
    %shift_right_arithmetic3A_1181 = vector.broadcast %shift_right_arithmetic3A_1180 : i32 to vector<16xi32>
    %shift_right_arithmetic3A_1182 = arith.shrsi %get3A_1179, %shift_right_arithmetic3A_1181 : vector<16xi32>
    %swap3A_1183 = arith.constant 2 : i32
    %swap3A_1184 = arith.index_cast %swap3A_1183 : i32 to index
    %swap3A_1185 = arith.constant 96 : index
    %swap3A_1186 = tpu.vector_load %arg14[%swap3A_1184, %swap3A_1185] {strides = array<i32>} : memref<4x128xi32, #tpu.memory_space<vmem>>, vector<1x16xi32>,
    %swap3A_1187 = vector.shape_cast %swap3A_1186 : vector<1x16xi32> to vector<16xi32>
    %swap3A_1188 = vector.shape_cast %shift_right_arithmetic3A_1182 : vector<16xi32> to vector<1x16xi32>
    tpu.vector_store %arg14[%swap3A_1184, %swap3A_1185], %swap3A_1188 {strides = array<i32>} : memref<4x128xi32, #tpu.memory_space<vmem>>, vector<1x16xi32>,
    %mul3A_1189 = arith.constant 4 : i32
    %mul3A_1190 = arith.muli %add3A, %mul3A_1189 : i32
    %add3A_1191 = arith.constant 2 : i32
    %add3A_1192 = arith.addi %mul3A_1190, %add3A_1191 : i32
    %get3A_1193 = arith.index_cast %add3A_1192 : i32 to index
    %get3A_1194 = arith.constant 112 : index
    %get3A_1195 = tpu.vector_load %arg13[%get3A_1193, %get3A_1194] {strides = array<i32>} : memref<128x128xi32, #tpu.memory_space<vmem>>, vector<1x16xi32>,
    %get3A_1196 = vector.shape_cast %get3A_1195 : vector<1x16xi32> to vector<16xi32>
    %shift_right_arithmetic3A_1197 = arith.constant 5 : i32
    %shift_right_arithmetic3A_1198 = vector.broadcast %shift_right_arithmetic3A_1197 : i32 to vector<16xi32>
    %shift_right_arithmetic3A_1199 = arith.shrsi %get3A_1196, %shift_right_arithmetic3A_1198 : vector<16xi32>
    %swap3A_1200 = arith.constant 2 : i32
    %swap3A_1201 = arith.index_cast %swap3A_1200 : i32 to index
    %swap3A_1202 = arith.constant 112 : index
    %swap3A_1203 = tpu.vector_load %arg14[%swap3A_1201, %swap3A_1202] {strides = array<i32>} : memref<4x128xi32, #tpu.memory_space<vmem>>, vector<1x16xi32>,
    %swap3A_1204 = vector.shape_cast %swap3A_1203 : vector<1x16xi32> to vector<16xi32>
    %swap3A_1205 = vector.shape_cast %shift_right_arithmetic3A_1199 : vector<16xi32> to vector<1x16xi32>
    tpu.vector_store %arg14[%swap3A_1201, %swap3A_1202], %swap3A_1205 {strides = array<i32>} : memref<4x128xi32, #tpu.memory_space<vmem>>, vector<1x16xi32>,
    %mul3A_1206 = arith.constant 4 : i32
    %mul3A_1207 = arith.muli %add3A, %mul3A_1206 : i32
    %add3A_1208 = arith.constant 3 : i32
    %add3A_1209 = arith.addi %mul3A_1207, %add3A_1208 : i32
    %get3A_1210 = arith.index_cast %add3A_1209 : i32 to index
    %get3A_1211 = arith.constant 0 : index
    %get3A_1212 = tpu.vector_load %arg13[%get3A_1210, %get3A_1211] {strides = array<i32>} : memref<128x128xi32, #tpu.memory_space<vmem>>, vector<1x16xi32>,
    %get3A_1213 = vector.shape_cast %get3A_1212 : vector<1x16xi32> to vector<16xi32>
    %shift_right_arithmetic3A_1214 = arith.constant 5 : i32
    %shift_right_arithmetic3A_1215 = vector.broadcast %shift_right_arithmetic3A_1214 : i32 to vector<16xi32>
    %shift_right_arithmetic3A_1216 = arith.shrsi %get3A_1213, %shift_right_arithmetic3A_1215 : vector<16xi32>
    %swap3A_1217 = arith.constant 3 : i32
    %swap3A_1218 = arith.index_cast %swap3A_1217 : i32 to index
    %swap3A_1219 = arith.constant 0 : index
    %swap3A_1220 = tpu.vector_load %arg14[%swap3A_1218, %swap3A_1219] {strides = array<i32>} : memref<4x128xi32, #tpu.memory_space<vmem>>, vector<1x16xi32>,
    %swap3A_1221 = vector.shape_cast %swap3A_1220 : vector<1x16xi32> to vector<16xi32>
    %swap3A_1222 = vector.shape_cast %shift_right_arithmetic3A_1216 : vector<16xi32> to vector<1x16xi32>
    tpu.vector_store %arg14[%swap3A_1218, %swap3A_1219], %swap3A_1222 {strides = array<i32>} : memref<4x128xi32, #tpu.memory_space<vmem>>, vector<1x16xi32>,
    %mul3A_1223 = arith.constant 4 : i32
    %mul3A_1224 = arith.muli %add3A, %mul3A_1223 : i32
    %add3A_1225 = arith.constant 3 : i32
    %add3A_1226 = arith.addi %mul3A_1224, %add3A_1225 : i32
    %get3A_1227 = arith.index_cast %add3A_1226 : i32 to index
    %get3A_1228 = arith.constant 16 : index
    %get3A_1229 = tpu.vector_load %arg13[%get3A_1227, %get3A_1228] {strides = array<i32>} : memref<128x128xi32, #tpu.memory_space<vmem>>, vector<1x16xi32>,
    %get3A_1230 = vector.shape_cast %get3A_1229 : vector<1x16xi32> to vector<16xi32>
    %shift_right_arithmetic3A_1231 = arith.constant 5 : i32
    %shift_right_arithmetic3A_1232 = vector.broadcast %shift_right_arithmetic3A_1231 : i32 to vector<16xi32>
    %shift_right_arithmetic3A_1233 = arith.shrsi %get3A_1230, %shift_right_arithmetic3A_1232 : vector<16xi32>
    %swap3A_1234 = arith.constant 3 : i32
    %swap3A_1235 = arith.index_cast %swap3A_1234 : i32 to index
    %swap3A_1236 = arith.constant 16 : index
    %swap3A_1237 = tpu.vector_load %arg14[%swap3A_1235, %swap3A_1236] {strides = array<i32>} : memref<4x128xi32, #tpu.memory_space<vmem>>, vector<1x16xi32>,
    %swap3A_1238 = vector.shape_cast %swap3A_1237 : vector<1x16xi32> to vector<16xi32>
    %swap3A_1239 = vector.shape_cast %shift_right_arithmetic3A_1233 : vector<16xi32> to vector<1x16xi32>
    tpu.vector_store %arg14[%swap3A_1235, %swap3A_1236], %swap3A_1239 {strides = array<i32>} : memref<4x128xi32, #tpu.memory_space<vmem>>, vector<1x16xi32>,
    %mul3A_1240 = arith.constant 4 : i32
    %mul3A_1241 = arith.muli %add3A, %mul3A_1240 : i32
    %add3A_1242 = arith.constant 3 : i32
    %add3A_1243 = arith.addi %mul3A_1241, %add3A_1242 : i32
    %get3A_1244 = arith.index_cast %add3A_1243 : i32 to index
    %get3A_1245 = arith.constant 32 : index
    %get3A_1246 = tpu.vector_load %arg13[%get3A_1244, %get3A_1245] {strides = array<i32>} : memref<128x128xi32, #tpu.memory_space<vmem>>, vector<1x16xi32>,
    %get3A_1247 = vector.shape_cast %get3A_1246 : vector<1x16xi32> to vector<16xi32>
    %shift_right_arithmetic3A_1248 = arith.constant 5 : i32
    %shift_right_arithmetic3A_1249 = vector.broadcast %shift_right_arithmetic3A_1248 : i32 to vector<16xi32>
    %shift_right_arithmetic3A_1250 = arith.shrsi %get3A_1247, %shift_right_arithmetic3A_1249 : vector<16xi32>
    %swap3A_1251 = arith.constant 3 : i32
    %swap3A_1252 = arith.index_cast %swap3A_1251 : i32 to index
    %swap3A_1253 = arith.constant 32 : index
    %swap3A_1254 = tpu.vector_load %arg14[%swap3A_1252, %swap3A_1253] {strides = array<i32>} : memref<4x128xi32, #tpu.memory_space<vmem>>, vector<1x16xi32>,
    %swap3A_1255 = vector.shape_cast %swap3A_1254 : vector<1x16xi32> to vector<16xi32>
    %swap3A_1256 = vector.shape_cast %shift_right_arithmetic3A_1250 : vector<16xi32> to vector<1x16xi32>
    tpu.vector_store %arg14[%swap3A_1252, %swap3A_1253], %swap3A_1256 {strides = array<i32>} : memref<4x128xi32, #tpu.memory_space<vmem>>, vector<1x16xi32>,
    %mul3A_1257 = arith.constant 4 : i32
    %mul3A_1258 = arith.muli %add3A, %mul3A_1257 : i32
    %add3A_1259 = arith.constant 3 : i32
    %add3A_1260 = arith.addi %mul3A_1258, %add3A_1259 : i32
    %get3A_1261 = arith.index_cast %add3A_1260 : i32 to index
    %get3A_1262 = arith.constant 48 : index
    %get3A_1263 = tpu.vector_load %arg13[%get3A_1261, %get3A_1262] {strides = array<i32>} : memref<128x128xi32, #tpu.memory_space<vmem>>, vector<1x16xi32>,
    %get3A_1264 = vector.shape_cast %get3A_1263 : vector<1x16xi32> to vector<16xi32>
    %shift_right_arithmetic3A_1265 = arith.constant 5 : i32
    %shift_right_arithmetic3A_1266 = vector.broadcast %shift_right_arithmetic3A_1265 : i32 to vector<16xi32>
    %shift_right_arithmetic3A_1267 = arith.shrsi %get3A_1264, %shift_right_arithmetic3A_1266 : vector<16xi32>
    %swap3A_1268 = arith.constant 3 : i32
    %swap3A_1269 = arith.index_cast %swap3A_1268 : i32 to index
    %swap3A_1270 = arith.constant 48 : index
    %swap3A_1271 = tpu.vector_load %arg14[%swap3A_1269, %swap3A_1270] {strides = array<i32>} : memref<4x128xi32, #tpu.memory_space<vmem>>, vector<1x16xi32>,
    %swap3A_1272 = vector.shape_cast %swap3A_1271 : vector<1x16xi32> to vector<16xi32>
    %swap3A_1273 = vector.shape_cast %shift_right_arithmetic3A_1267 : vector<16xi32> to vector<1x16xi32>
    tpu.vector_store %arg14[%swap3A_1269, %swap3A_1270], %swap3A_1273 {strides = array<i32>} : memref<4x128xi32, #tpu.memory_space<vmem>>, vector<1x16xi32>,
    %mul3A_1274 = arith.constant 4 : i32
    %mul3A_1275 = arith.muli %add3A, %mul3A_1274 : i32
    %add3A_1276 = arith.constant 3 : i32
    %add3A_1277 = arith.addi %mul3A_1275, %add3A_1276 : i32
    %get3A_1278 = arith.index_cast %add3A_1277 : i32 to index
    %get3A_1279 = arith.constant 64 : index
    %get3A_1280 = tpu.vector_load %arg13[%get3A_1278, %get3A_1279] {strides = array<i32>} : memref<128x128xi32, #tpu.memory_space<vmem>>, vector<1x16xi32>,
    %get3A_1281 = vector.shape_cast %get3A_1280 : vector<1x16xi32> to vector<16xi32>
    %shift_right_arithmetic3A_1282 = arith.constant 5 : i32
    %shift_right_arithmetic3A_1283 = vector.broadcast %shift_right_arithmetic3A_1282 : i32 to vector<16xi32>
    %shift_right_arithmetic3A_1284 = arith.shrsi %get3A_1281, %shift_right_arithmetic3A_1283 : vector<16xi32>
    %swap3A_1285 = arith.constant 3 : i32
    %swap3A_1286 = arith.index_cast %swap3A_1285 : i32 to index
    %swap3A_1287 = arith.constant 64 : index
    %swap3A_1288 = tpu.vector_load %arg14[%swap3A_1286, %swap3A_1287] {strides = array<i32>} : memref<4x128xi32, #tpu.memory_space<vmem>>, vector<1x16xi32>,
    %swap3A_1289 = vector.shape_cast %swap3A_1288 : vector<1x16xi32> to vector<16xi32>
    %swap3A_1290 = vector.shape_cast %shift_right_arithmetic3A_1284 : vector<16xi32> to vector<1x16xi32>
    tpu.vector_store %arg14[%swap3A_1286, %swap3A_1287], %swap3A_1290 {strides = array<i32>} : memref<4x128xi32, #tpu.memory_space<vmem>>, vector<1x16xi32>,
    %mul3A_1291 = arith.constant 4 : i32
    %mul3A_1292 = arith.muli %add3A, %mul3A_1291 : i32
    %add3A_1293 = arith.constant 3 : i32
    %add3A_1294 = arith.addi %mul3A_1292, %add3A_1293 : i32
    %get3A_1295 = arith.index_cast %add3A_1294 : i32 to index
    %get3A_1296 = arith.constant 80 : index
    %get3A_1297 = tpu.vector_load %arg13[%get3A_1295, %get3A_1296] {strides = array<i32>} : memref<128x128xi32, #tpu.memory_space<vmem>>, vector<1x16xi32>,
    %get3A_1298 = vector.shape_cast %get3A_1297 : vector<1x16xi32> to vector<16xi32>
    %shift_right_arithmetic3A_1299 = arith.constant 5 : i32
    %shift_right_arithmetic3A_1300 = vector.broadcast %shift_right_arithmetic3A_1299 : i32 to vector<16xi32>
    %shift_right_arithmetic3A_1301 = arith.shrsi %get3A_1298, %shift_right_arithmetic3A_1300 : vector<16xi32>
    %swap3A_1302 = arith.constant 3 : i32
    %swap3A_1303 = arith.index_cast %swap3A_1302 : i32 to index
    %swap3A_1304 = arith.constant 80 : index
    %swap3A_1305 = tpu.vector_load %arg14[%swap3A_1303, %swap3A_1304] {strides = array<i32>} : memref<4x128xi32, #tpu.memory_space<vmem>>, vector<1x16xi32>,
    %swap3A_1306 = vector.shape_cast %swap3A_1305 : vector<1x16xi32> to vector<16xi32>
    %swap3A_1307 = vector.shape_cast %shift_right_arithmetic3A_1301 : vector<16xi32> to vector<1x16xi32>
    tpu.vector_store %arg14[%swap3A_1303, %swap3A_1304], %swap3A_1307 {strides = array<i32>} : memref<4x128xi32, #tpu.memory_space<vmem>>, vector<1x16xi32>,
    %mul3A_1308 = arith.constant 4 : i32
    %mul3A_1309 = arith.muli %add3A, %mul3A_1308 : i32
    %add3A_1310 = arith.constant 3 : i32
    %add3A_1311 = arith.addi %mul3A_1309, %add3A_1310 : i32
    %get3A_1312 = arith.index_cast %add3A_1311 : i32 to index
    %get3A_1313 = arith.constant 96 : index
    %get3A_1314 = tpu.vector_load %arg13[%get3A_1312, %get3A_1313] {strides = array<i32>} : memref<128x128xi32, #tpu.memory_space<vmem>>, vector<1x16xi32>,
    %get3A_1315 = vector.shape_cast %get3A_1314 : vector<1x16xi32> to vector<16xi32>
    %shift_right_arithmetic3A_1316 = arith.constant 5 : i32
    %shift_right_arithmetic3A_1317 = vector.broadcast %shift_right_arithmetic3A_1316 : i32 to vector<16xi32>
    %shift_right_arithmetic3A_1318 = arith.shrsi %get3A_1315, %shift_right_arithmetic3A_1317 : vector<16xi32>
    %swap3A_1319 = arith.constant 3 : i32
    %swap3A_1320 = arith.index_cast %swap3A_1319 : i32 to index
    %swap3A_1321 = arith.constant 96 : index
    %swap3A_1322 = tpu.vector_load %arg14[%swap3A_1320, %swap3A_1321] {strides = array<i32>} : memref<4x128xi32, #tpu.memory_space<vmem>>, vector<1x16xi32>,
    %swap3A_1323 = vector.shape_cast %swap3A_1322 : vector<1x16xi32> to vector<16xi32>
    %swap3A_1324 = vector.shape_cast %shift_right_arithmetic3A_1318 : vector<16xi32> to vector<1x16xi32>
    tpu.vector_store %arg14[%swap3A_1320, %swap3A_1321], %swap3A_1324 {strides = array<i32>} : memref<4x128xi32, #tpu.memory_space<vmem>>, vector<1x16xi32>,
    %mul3A_1325 = arith.constant 4 : i32
    %mul3A_1326 = arith.muli %add3A, %mul3A_1325 : i32
    %add3A_1327 = arith.constant 3 : i32
    %add3A_1328 = arith.addi %mul3A_1326, %add3A_1327 : i32
    %get3A_1329 = arith.index_cast %add3A_1328 : i32 to index
    %get3A_1330 = arith.constant 112 : index
    %get3A_1331 = tpu.vector_load %arg13[%get3A_1329, %get3A_1330] {strides = array<i32>} : memref<128x128xi32, #tpu.memory_space<vmem>>, vector<1x16xi32>,
    %get3A_1332 = vector.shape_cast %get3A_1331 : vector<1x16xi32> to vector<16xi32>
    %shift_right_arithmetic3A_1333 = arith.constant 5 : i32
    %shift_right_arithmetic3A_1334 = vector.broadcast %shift_right_arithmetic3A_1333 : i32 to vector<16xi32>
    %shift_right_arithmetic3A_1335 = arith.shrsi %get3A_1332, %shift_right_arithmetic3A_1334 : vector<16xi32>
    %swap3A_1336 = arith.constant 3 : i32
    %swap3A_1337 = arith.index_cast %swap3A_1336 : i32 to index
    %swap3A_1338 = arith.constant 112 : index
    %swap3A_1339 = tpu.vector_load %arg14[%swap3A_1337, %swap3A_1338] {strides = array<i32>} : memref<4x128xi32, #tpu.memory_space<vmem>>, vector<1x16xi32>,
    %swap3A_1340 = vector.shape_cast %swap3A_1339 : vector<1x16xi32> to vector<16xi32>
    %swap3A_1341 = vector.shape_cast %shift_right_arithmetic3A_1335 : vector<16xi32> to vector<1x16xi32>
    tpu.vector_store %arg14[%swap3A_1337, %swap3A_1338], %swap3A_1341 {strides = array<i32>} : memref<4x128xi32, #tpu.memory_space<vmem>>, vector<1x16xi32>,
    %dma_start3A_1342 = arith.constant 0 : i32
    %dma_start3A_1343 = arith.constant 0 : i32
    %dma_start3A_1344 = arith.constant 0 : i32
    %dma_start3A_1345 = tpu.memref_slice %arg15[%dma_start3A_1343, %dma_start3A_1344] : memref<512x128xf32, #tpu.memory_space<vmem>> -> memref<128x128xf32, #tpu.memory_space<vmem>>
    %dma_start3A_1346 = arith.constant 0 : i32
    %dma_start3A_1347 = tpu.memref_slice %arg14[%dma_start3A_1342, %dma_start3A_1346] : memref<4x128xi32, #tpu.memory_space<vmem>> -> memref<1x128xi32, #tpu.memory_space<vmem>>
    %dma_start3A_1348 = tpu.memref_squeeze %dma_start3A_1347 : memref<1x128xi32, #tpu.memory_space<vmem>> -> memref<128xi32, #tpu.memory_space<vmem>>
    %dma_start3A_1349 = arith.constant 0 : i32
    %dma_start3A_1350 = arith.constant 0 : i32
    %dma_start3A_1351 = tpu.memref_slice %arg7[%dma_start3A_1349, %dma_start3A_1350] : memref<7813x128xf32, #tpu.memory_space<hbm>> -> memref<7813x128xf32, #tpu.memory_space<hbm>>
    tpu.enqueue_indirect_dma source(%dma_start3A_1351 : memref<7813x128xf32, #tpu.memory_space<hbm>>) target(%dma_start3A_1345 : memref<128x128xf32, #tpu.memory_space<vmem>>) offsets(%dma_start3A_1348 : memref<128xi32, #tpu.memory_space<vmem>>) semaphore(%arg16 : memref<!tpu.dma_semaphore, #tpu.memory_space<semaphore_mem>>)
    %dma_start3A_1352 = arith.constant 1 : i32
    %dma_start3A_1353 = arith.constant 128 : i32
    %dma_start3A_1354 = arith.constant 0 : i32
    %dma_start3A_1355 = tpu.memref_slice %arg15[%dma_start3A_1353, %dma_start3A_1354] : memref<512x128xf32, #tpu.memory_space<vmem>> -> memref<128x128xf32, #tpu.memory_space<vmem>>
    %dma_start3A_1356 = arith.constant 0 : i32
    %dma_start3A_1357 = tpu.memref_slice %arg14[%dma_start3A_1352, %dma_start3A_1356] : memref<4x128xi32, #tpu.memory_space<vmem>> -> memref<1x128xi32, #tpu.memory_space<vmem>>
    %dma_start3A_1358 = tpu.memref_squeeze %dma_start3A_1357 : memref<1x128xi32, #tpu.memory_space<vmem>> -> memref<128xi32, #tpu.memory_space<vmem>>
    %dma_start3A_1359 = arith.constant 0 : i32
    %dma_start3A_1360 = arith.constant 0 : i32
    %dma_start3A_1361 = tpu.memref_slice %arg7[%dma_start3A_1359, %dma_start3A_1360] : memref<7813x128xf32, #tpu.memory_space<hbm>> -> memref<7813x128xf32, #tpu.memory_space<hbm>>
    tpu.enqueue_indirect_dma source(%dma_start3A_1361 : memref<7813x128xf32, #tpu.memory_space<hbm>>) target(%dma_start3A_1355 : memref<128x128xf32, #tpu.memory_space<vmem>>) offsets(%dma_start3A_1358 : memref<128xi32, #tpu.memory_space<vmem>>) semaphore(%arg16 : memref<!tpu.dma_semaphore, #tpu.memory_space<semaphore_mem>>)
    %dma_start3A_1362 = arith.constant 2 : i32
    %dma_start3A_1363 = arith.constant 256 : i32
    %dma_start3A_1364 = arith.constant 0 : i32
    %dma_start3A_1365 = tpu.memref_slice %arg15[%dma_start3A_1363, %dma_start3A_1364] : memref<512x128xf32, #tpu.memory_space<vmem>> -> memref<128x128xf32, #tpu.memory_space<vmem>>
    %dma_start3A_1366 = arith.constant 0 : i32
    %dma_start3A_1367 = tpu.memref_slice %arg14[%dma_start3A_1362, %dma_start3A_1366] : memref<4x128xi32, #tpu.memory_space<vmem>> -> memref<1x128xi32, #tpu.memory_space<vmem>>
    %dma_start3A_1368 = tpu.memref_squeeze %dma_start3A_1367 : memref<1x128xi32, #tpu.memory_space<vmem>> -> memref<128xi32, #tpu.memory_space<vmem>>
    %dma_start3A_1369 = arith.constant 0 : i32
    %dma_start3A_1370 = arith.constant 0 : i32
    %dma_start3A_1371 = tpu.memref_slice %arg7[%dma_start3A_1369, %dma_start3A_1370] : memref<7813x128xf32, #tpu.memory_space<hbm>> -> memref<7813x128xf32, #tpu.memory_space<hbm>>
    tpu.enqueue_indirect_dma source(%dma_start3A_1371 : memref<7813x128xf32, #tpu.memory_space<hbm>>) target(%dma_start3A_1365 : memref<128x128xf32, #tpu.memory_space<vmem>>) offsets(%dma_start3A_1368 : memref<128xi32, #tpu.memory_space<vmem>>) semaphore(%arg16 : memref<!tpu.dma_semaphore, #tpu.memory_space<semaphore_mem>>)
    %dma_start3A_1372 = arith.constant 3 : i32
    %dma_start3A_1373 = arith.constant 384 : i32
    %dma_start3A_1374 = arith.constant 0 : i32
    %dma_start3A_1375 = tpu.memref_slice %arg15[%dma_start3A_1373, %dma_start3A_1374] : memref<512x128xf32, #tpu.memory_space<vmem>> -> memref<128x128xf32, #tpu.memory_space<vmem>>
    %dma_start3A_1376 = arith.constant 0 : i32
    %dma_start3A_1377 = tpu.memref_slice %arg14[%dma_start3A_1372, %dma_start3A_1376] : memref<4x128xi32, #tpu.memory_space<vmem>> -> memref<1x128xi32, #tpu.memory_space<vmem>>
    %dma_start3A_1378 = tpu.memref_squeeze %dma_start3A_1377 : memref<1x128xi32, #tpu.memory_space<vmem>> -> memref<128xi32, #tpu.memory_space<vmem>>
    %dma_start3A_1379 = arith.constant 0 : i32
    %dma_start3A_1380 = arith.constant 0 : i32
    %dma_start3A_1381 = tpu.memref_slice %arg7[%dma_start3A_1379, %dma_start3A_1380] : memref<7813x128xf32, #tpu.memory_space<hbm>> -> memref<7813x128xf32, #tpu.memory_space<hbm>>
    tpu.enqueue_indirect_dma source(%dma_start3A_1381 : memref<7813x128xf32, #tpu.memory_space<hbm>>) target(%dma_start3A_1375 : memref<128x128xf32, #tpu.memory_space<vmem>>) offsets(%dma_start3A_1378 : memref<128xi32, #tpu.memory_space<vmem>>) semaphore(%arg16 : memref<!tpu.dma_semaphore, #tpu.memory_space<semaphore_mem>>)
    %dma_wait3A_1382 = arith.constant 0 : i32
    %dma_wait3A_1383 = arith.constant 0 : i32
    %dma_wait3A_1384 = arith.constant 0 : i32
    %dma_wait3A_1385 = tpu.memref_slice %arg15[%dma_wait3A_1383, %dma_wait3A_1384] : memref<512x128xf32, #tpu.memory_space<vmem>> -> memref<128x128xf32, #tpu.memory_space<vmem>>
    %dma_wait3A_1386 = arith.constant 0 : i32
    %dma_wait3A_1387 = tpu.memref_slice %arg14[%dma_wait3A_1382, %dma_wait3A_1386] : memref<4x128xi32, #tpu.memory_space<vmem>> -> memref<1x128xi32, #tpu.memory_space<vmem>>
    %dma_wait3A_1388 = tpu.memref_squeeze %dma_wait3A_1387 : memref<1x128xi32, #tpu.memory_space<vmem>> -> memref<128xi32, #tpu.memory_space<vmem>>
    %dma_wait3A_1389 = arith.constant 0 : i32
    %dma_wait3A_1390 = arith.constant 0 : i32
    %dma_wait3A_1391 = tpu.memref_slice %arg7[%dma_wait3A_1389, %dma_wait3A_1390] : memref<7813x128xf32, #tpu.memory_space<hbm>> -> memref<7813x128xf32, #tpu.memory_space<hbm>>
    tpu.wait_indirect_dma semaphore(%arg16 : memref<!tpu.dma_semaphore, #tpu.memory_space<semaphore_mem>>) src(%dma_wait3A_1391 : memref<7813x128xf32, #tpu.memory_space<hbm>>) dst(%dma_wait3A_1385 : memref<128x128xf32, #tpu.memory_space<vmem>>)
    %dma_wait3A_1392 = arith.constant 1 : i32
    %dma_wait3A_1393 = arith.constant 128 : i32
    %dma_wait3A_1394 = arith.constant 0 : i32
    %dma_wait3A_1395 = tpu.memref_slice %arg15[%dma_wait3A_1393, %dma_wait3A_1394] : memref<512x128xf32, #tpu.memory_space<vmem>> -> memref<128x128xf32, #tpu.memory_space<vmem>>
    %dma_wait3A_1396 = arith.constant 0 : i32
    %dma_wait3A_1397 = tpu.memref_slice %arg14[%dma_wait3A_1392, %dma_wait3A_1396] : memref<4x128xi32, #tpu.memory_space<vmem>> -> memref<1x128xi32, #tpu.memory_space<vmem>>
    %dma_wait3A_1398 = tpu.memref_squeeze %dma_wait3A_1397 : memref<1x128xi32, #tpu.memory_space<vmem>> -> memref<128xi32, #tpu.memory_space<vmem>>
    %dma_wait3A_1399 = arith.constant 0 : i32
    %dma_wait3A_1400 = arith.constant 0 : i32
    %dma_wait3A_1401 = tpu.memref_slice %arg7[%dma_wait3A_1399, %dma_wait3A_1400] : memref<7813x128xf32, #tpu.memory_space<hbm>> -> memref<7813x128xf32, #tpu.memory_space<hbm>>
    tpu.wait_indirect_dma semaphore(%arg16 : memref<!tpu.dma_semaphore, #tpu.memory_space<semaphore_mem>>) src(%dma_wait3A_1401 : memref<7813x128xf32, #tpu.memory_space<hbm>>) dst(%dma_wait3A_1395 : memref<128x128xf32, #tpu.memory_space<vmem>>)
    %dma_wait3A_1402 = arith.constant 2 : i32
    %dma_wait3A_1403 = arith.constant 256 : i32
    %dma_wait3A_1404 = arith.constant 0 : i32
    %dma_wait3A_1405 = tpu.memref_slice %arg15[%dma_wait3A_1403, %dma_wait3A_1404] : memref<512x128xf32, #tpu.memory_space<vmem>> -> memref<128x128xf32, #tpu.memory_space<vmem>>
    %dma_wait3A_1406 = arith.constant 0 : i32
    %dma_wait3A_1407 = tpu.memref_slice %arg14[%dma_wait3A_1402, %dma_wait3A_1406] : memref<4x128xi32, #tpu.memory_space<vmem>> -> memref<1x128xi32, #tpu.memory_space<vmem>>
    %dma_wait3A_1408 = tpu.memref_squeeze %dma_wait3A_1407 : memref<1x128xi32, #tpu.memory_space<vmem>> -> memref<128xi32, #tpu.memory_space<vmem>>
    %dma_wait3A_1409 = arith.constant 0 : i32
    %dma_wait3A_1410 = arith.constant 0 : i32
    %dma_wait3A_1411 = tpu.memref_slice %arg7[%dma_wait3A_1409, %dma_wait3A_1410] : memref<7813x128xf32, #tpu.memory_space<hbm>> -> memref<7813x128xf32, #tpu.memory_space<hbm>>
    tpu.wait_indirect_dma semaphore(%arg16 : memref<!tpu.dma_semaphore, #tpu.memory_space<semaphore_mem>>) src(%dma_wait3A_1411 : memref<7813x128xf32, #tpu.memory_space<hbm>>) dst(%dma_wait3A_1405 : memref<128x128xf32, #tpu.memory_space<vmem>>)
    %dma_wait3A_1412 = arith.constant 3 : i32
    %dma_wait3A_1413 = arith.constant 384 : i32
    %dma_wait3A_1414 = arith.constant 0 : i32
    %dma_wait3A_1415 = tpu.memref_slice %arg15[%dma_wait3A_1413, %dma_wait3A_1414] : memref<512x128xf32, #tpu.memory_space<vmem>> -> memref<128x128xf32, #tpu.memory_space<vmem>>
    %dma_wait3A_1416 = arith.constant 0 : i32
    %dma_wait3A_1417 = tpu.memref_slice %arg14[%dma_wait3A_1412, %dma_wait3A_1416] : memref<4x128xi32, #tpu.memory_space<vmem>> -> memref<1x128xi32, #tpu.memory_space<vmem>>
    %dma_wait3A_1418 = tpu.memref_squeeze %dma_wait3A_1417 : memref<1x128xi32, #tpu.memory_space<vmem>> -> memref<128xi32, #tpu.memory_space<vmem>>
    %dma_wait3A_1419 = arith.constant 0 : i32
    %dma_wait3A_1420 = arith.constant 0 : i32
    %dma_wait3A_1421 = tpu.memref_slice %arg7[%dma_wait3A_1419, %dma_wait3A_1420] : memref<7813x128xf32, #tpu.memory_space<hbm>> -> memref<7813x128xf32, #tpu.memory_space<hbm>>
    tpu.wait_indirect_dma semaphore(%arg16 : memref<!tpu.dma_semaphore, #tpu.memory_space<semaphore_mem>>) src(%dma_wait3A_1421 : memref<7813x128xf32, #tpu.memory_space<hbm>>) dst(%dma_wait3A_1415 : memref<128x128xf32, #tpu.memory_space<vmem>>)
    "tpu.region"() ({
      %run_scoped3A = tpu.sem_alloc : memref<!tpu.dma_semaphore, #tpu.memory_space<semaphore_mem>>
      %dma_start3A_1422 = arith.constant 0 : i32
      %dma_start3A_1423 = tpu.memref_slice %arg11[%mul3A_2, %dma_start3A_1422] : memref<16384x128xf32, #tpu.memory_space<hbm>> -> memref<512x128xf32, #tpu.memory_space<hbm>>
      %dma_start3A_1424 = arith.constant 0 : i32
      %dma_start3A_1425 = tpu.memref_slice %arg11[%mul3A_2, %dma_start3A_1424] : memref<16384x128xf32, #tpu.memory_space<hbm>> -> memref<512x128xf32, #tpu.memory_space<hbm>>
      tpu.enqueue_dma source(%arg15 : memref<512x128xf32, #tpu.memory_space<vmem>>) target(%dma_start3A_1425 : memref<512x128xf32, #tpu.memory_space<hbm>>) target_semaphore(%run_scoped3A : memref<!tpu.dma_semaphore, #tpu.memory_space<semaphore_mem>>)
      %dma_wait3A_1426 = arith.constant 0 : i32
      %dma_wait3A_1427 = tpu.memref_slice %arg11[%mul3A_2, %dma_wait3A_1426] : memref<16384x128xf32, #tpu.memory_space<hbm>> -> memref<512x128xf32, #tpu.memory_space<hbm>>
      %dma_wait3A_1428 = arith.constant 0 : i32
      %dma_wait3A_1429 = tpu.memref_slice %arg11[%mul3A_2, %dma_wait3A_1428] : memref<16384x128xf32, #tpu.memory_space<hbm>> -> memref<512x128xf32, #tpu.memory_space<hbm>>
      tpu.wait_dma2 semaphore(%run_scoped3A : memref<!tpu.dma_semaphore, #tpu.memory_space<semaphore_mem>>) src(%arg15 : memref<512x128xf32, #tpu.memory_space<vmem>>) dst(%dma_wait3A_1429 : memref<512x128xf32, #tpu.memory_space<hbm>>)
      tpu.yield
    }) : () -> ()
    return
  }
}

module attributes {stable_mosaic.version = 14 : i64} {
  func.func @_tc_mix_body(%arg0: i32, %arg1: memref<2048x128xf32, #tpu.memory_space<vmem>>, %arg2: memref<2048x128xf32, #tpu.memory_space<vmem>>, %arg3: memref<2048x1xi32, #tpu.memory_space<vmem>>, %arg4: memref<2048x1xi32, #tpu.memory_space<vmem>>, %arg5: memref<2048x1xi32, #tpu.memory_space<vmem>>, %arg6: memref<2048x1xi32, #tpu.memory_space<vmem>>, %arg7: memref<2048x128xf32, #tpu.memory_space<vmem>>, %arg8: memref<2048x128xf32, #tpu.memory_space<vmem>>, %arg9: memref<32x128xf32, #tpu.memory_space<vmem>>, %arg10: memref<1x128xf32, #tpu.memory_space<vmem>>, %arg11: memref<32x128xf32, #tpu.memory_space<vmem>>, %arg12: memref<1x128xf32, #tpu.memory_space<vmem>>, %arg13: memref<2048x1xf32, #tpu.memory_space<vmem>>) attributes {dimension_semantics = [#tpu.dimension_semantics<arbitrary>], iteration_bounds = array<i64: 8>, scalar_prefetch = 0 : i64, scratch_operands = 0 : i64, tpu.core_type = #tpu.core_type<tc>, window_params = [{transform_indices = @transform_0, window_bounds = array<i64: 2048, 128>}, {transform_indices = @transform_1, window_bounds = array<i64: 2048, 128>}, {transform_indices = @transform_2, window_bounds = array<i64: 2048, 1>}, {transform_indices = @transform_3, window_bounds = array<i64: 2048, 1>}, {transform_indices = @transform_4, window_bounds = array<i64: 2048, 1>}, {transform_indices = @transform_5, window_bounds = array<i64: 2048, 1>}, {transform_indices = @transform_6, window_bounds = array<i64: 2048, 128>}, {transform_indices = @transform_7, window_bounds = array<i64: 2048, 128>}, {pipeline_mode = #tpu.pipeline_mode<synchronous>, transform_indices = @transform_8, window_bounds = array<i64: 32, 128>}, {pipeline_mode = #tpu.pipeline_mode<synchronous>, transform_indices = @transform_9, window_bounds = array<i64: 1, 128>}, {pipeline_mode = #tpu.pipeline_mode<synchronous>, transform_indices = @transform_10, window_bounds = array<i64: 32, 128>}, {pipeline_mode = #tpu.pipeline_mode<synchronous>, transform_indices = @transform_11, window_bounds = array<i64: 1, 128>}, {transform_indices = @transform_12, window_bounds = array<i64: 2048, 1>}]} {
    %get3A = arith.constant 0 : index
    %get3A_0 = arith.constant 0 : index
    %get3A_1 = vector.load %arg3[%get3A, %get3A_0] : memref<2048x1xi32, #tpu.memory_space<vmem>>, vector<2048x1xi32>
    %get3A_2 = arith.constant 0 : index
    %get3A_3 = arith.constant 0 : index
    %get3A_4 = vector.load %arg4[%get3A_2, %get3A_3] : memref<2048x1xi32, #tpu.memory_space<vmem>>, vector<2048x1xi32>
    %get3A_5 = arith.constant 0 : index
    %get3A_6 = arith.constant 0 : index
    %get3A_7 = vector.load %arg1[%get3A_5, %get3A_6] : memref<2048x128xf32, #tpu.memory_space<vmem>>, vector<2048x128xf32>
    %get3A_8 = arith.constant 0 : index
    %get3A_9 = arith.constant 0 : index
    %get3A_10 = vector.load %arg2[%get3A_8, %get3A_9] : memref<2048x128xf32, #tpu.memory_space<vmem>>, vector<2048x128xf32>
    %broadcast_in_dim3A = arith.constant 0.000000e+00 : f32
    %broadcast_in_dim3A_11 = vector.broadcast %broadcast_in_dim3A : f32 to vector<2048x32xf32>
    %broadcast_in_dim3A_12 = arith.constant 0.000000e+00 : f32
    %broadcast_in_dim3A_13 = vector.broadcast %broadcast_in_dim3A_12 : f32 to vector<2048x32xf32>
    %eq3A = arith.constant 0 : i32
    %eq3A_14 = vector.broadcast %eq3A : i32 to vector<2048x1xi32>
    %eq3A_15 = arith.cmpi eq, %get3A_1, %eq3A_14 : vector<2048x1xi32>
    %slice3A = vector.extract_strided_slice %get3A_7 {offsets = [0, 0], sizes = [2048, 32], strides = [1, 1]} : vector<2048x128xf32> to vector<2048x32xf32>
    %jit3A = arith.constant 0.000000e+00 : f32
    %broadcast_in_dim3A_16 = vector.shape_cast %eq3A_15 : vector<2048x1xi1> to vector<2048x1xi1>
    %broadcast_in_dim3A_17 = vector.broadcast %broadcast_in_dim3A_16 : vector<2048x1xi1> to vector<2048x32xi1>
    %broadcast_in_dim3A_18 = vector.broadcast %jit3A : f32 to vector<2048x32xf32>
    %select_n3A = arith.select %broadcast_in_dim3A_17, %slice3A, %broadcast_in_dim3A_18 : vector<2048x32xi1>, vector<2048x32xf32>
    %add3A = arith.addf %broadcast_in_dim3A_11, %select_n3A : vector<2048x32xf32>
    %eq3A_19 = arith.constant 0 : i32
    %eq3A_20 = vector.broadcast %eq3A_19 : i32 to vector<2048x1xi32>
    %eq3A_21 = arith.cmpi eq, %get3A_4, %eq3A_20 : vector<2048x1xi32>
    %slice3A_22 = vector.extract_strided_slice %get3A_10 {offsets = [0, 0], sizes = [2048, 32], strides = [1, 1]} : vector<2048x128xf32> to vector<2048x32xf32>
    %jit3A_23 = arith.constant 0.000000e+00 : f32
    %broadcast_in_dim3A_24 = vector.shape_cast %eq3A_21 : vector<2048x1xi1> to vector<2048x1xi1>
    %broadcast_in_dim3A_25 = vector.broadcast %broadcast_in_dim3A_24 : vector<2048x1xi1> to vector<2048x32xi1>
    %broadcast_in_dim3A_26 = vector.broadcast %jit3A_23 : f32 to vector<2048x32xf32>
    %select_n3A_27 = arith.select %broadcast_in_dim3A_25, %slice3A_22, %broadcast_in_dim3A_26 : vector<2048x32xi1>, vector<2048x32xf32>
    %add3A_28 = arith.addf %broadcast_in_dim3A_13, %select_n3A_27 : vector<2048x32xf32>
    %eq3A_29 = arith.constant 1 : i32
    %eq3A_30 = vector.broadcast %eq3A_29 : i32 to vector<2048x1xi32>
    %eq3A_31 = arith.cmpi eq, %get3A_1, %eq3A_30 : vector<2048x1xi32>
    %slice3A_32 = vector.extract_strided_slice %get3A_7 {offsets = [0, 32], sizes = [2048, 32], strides = [1, 1]} : vector<2048x128xf32> to vector<2048x32xf32>
    %jit3A_33 = arith.constant 0.000000e+00 : f32
    %broadcast_in_dim3A_34 = vector.shape_cast %eq3A_31 : vector<2048x1xi1> to vector<2048x1xi1>
    %broadcast_in_dim3A_35 = vector.broadcast %broadcast_in_dim3A_34 : vector<2048x1xi1> to vector<2048x32xi1>
    %broadcast_in_dim3A_36 = vector.broadcast %jit3A_33 : f32 to vector<2048x32xf32>
    %select_n3A_37 = arith.select %broadcast_in_dim3A_35, %slice3A_32, %broadcast_in_dim3A_36 : vector<2048x32xi1>, vector<2048x32xf32>
    %add3A_38 = arith.addf %add3A, %select_n3A_37 : vector<2048x32xf32>
    %eq3A_39 = arith.constant 1 : i32
    %eq3A_40 = vector.broadcast %eq3A_39 : i32 to vector<2048x1xi32>
    %eq3A_41 = arith.cmpi eq, %get3A_4, %eq3A_40 : vector<2048x1xi32>
    %slice3A_42 = vector.extract_strided_slice %get3A_10 {offsets = [0, 32], sizes = [2048, 32], strides = [1, 1]} : vector<2048x128xf32> to vector<2048x32xf32>
    %jit3A_43 = arith.constant 0.000000e+00 : f32
    %broadcast_in_dim3A_44 = vector.shape_cast %eq3A_41 : vector<2048x1xi1> to vector<2048x1xi1>
    %broadcast_in_dim3A_45 = vector.broadcast %broadcast_in_dim3A_44 : vector<2048x1xi1> to vector<2048x32xi1>
    %broadcast_in_dim3A_46 = vector.broadcast %jit3A_43 : f32 to vector<2048x32xf32>
    %select_n3A_47 = arith.select %broadcast_in_dim3A_45, %slice3A_42, %broadcast_in_dim3A_46 : vector<2048x32xi1>, vector<2048x32xf32>
    %add3A_48 = arith.addf %add3A_28, %select_n3A_47 : vector<2048x32xf32>
    %eq3A_49 = arith.constant 2 : i32
    %eq3A_50 = vector.broadcast %eq3A_49 : i32 to vector<2048x1xi32>
    %eq3A_51 = arith.cmpi eq, %get3A_1, %eq3A_50 : vector<2048x1xi32>
    %slice3A_52 = vector.extract_strided_slice %get3A_7 {offsets = [0, 64], sizes = [2048, 32], strides = [1, 1]} : vector<2048x128xf32> to vector<2048x32xf32>
    %jit3A_53 = arith.constant 0.000000e+00 : f32
    %broadcast_in_dim3A_54 = vector.shape_cast %eq3A_51 : vector<2048x1xi1> to vector<2048x1xi1>
    %broadcast_in_dim3A_55 = vector.broadcast %broadcast_in_dim3A_54 : vector<2048x1xi1> to vector<2048x32xi1>
    %broadcast_in_dim3A_56 = vector.broadcast %jit3A_53 : f32 to vector<2048x32xf32>
    %select_n3A_57 = arith.select %broadcast_in_dim3A_55, %slice3A_52, %broadcast_in_dim3A_56 : vector<2048x32xi1>, vector<2048x32xf32>
    %add3A_58 = arith.addf %add3A_38, %select_n3A_57 : vector<2048x32xf32>
    %eq3A_59 = arith.constant 2 : i32
    %eq3A_60 = vector.broadcast %eq3A_59 : i32 to vector<2048x1xi32>
    %eq3A_61 = arith.cmpi eq, %get3A_4, %eq3A_60 : vector<2048x1xi32>
    %slice3A_62 = vector.extract_strided_slice %get3A_10 {offsets = [0, 64], sizes = [2048, 32], strides = [1, 1]} : vector<2048x128xf32> to vector<2048x32xf32>
    %jit3A_63 = arith.constant 0.000000e+00 : f32
    %broadcast_in_dim3A_64 = vector.shape_cast %eq3A_61 : vector<2048x1xi1> to vector<2048x1xi1>
    %broadcast_in_dim3A_65 = vector.broadcast %broadcast_in_dim3A_64 : vector<2048x1xi1> to vector<2048x32xi1>
    %broadcast_in_dim3A_66 = vector.broadcast %jit3A_63 : f32 to vector<2048x32xf32>
    %select_n3A_67 = arith.select %broadcast_in_dim3A_65, %slice3A_62, %broadcast_in_dim3A_66 : vector<2048x32xi1>, vector<2048x32xf32>
    %add3A_68 = arith.addf %add3A_48, %select_n3A_67 : vector<2048x32xf32>
    %eq3A_69 = arith.constant 3 : i32
    %eq3A_70 = vector.broadcast %eq3A_69 : i32 to vector<2048x1xi32>
    %eq3A_71 = arith.cmpi eq, %get3A_1, %eq3A_70 : vector<2048x1xi32>
    %slice3A_72 = vector.extract_strided_slice %get3A_7 {offsets = [0, 96], sizes = [2048, 32], strides = [1, 1]} : vector<2048x128xf32> to vector<2048x32xf32>
    %jit3A_73 = arith.constant 0.000000e+00 : f32
    %broadcast_in_dim3A_74 = vector.shape_cast %eq3A_71 : vector<2048x1xi1> to vector<2048x1xi1>
    %broadcast_in_dim3A_75 = vector.broadcast %broadcast_in_dim3A_74 : vector<2048x1xi1> to vector<2048x32xi1>
    %broadcast_in_dim3A_76 = vector.broadcast %jit3A_73 : f32 to vector<2048x32xf32>
    %select_n3A_77 = arith.select %broadcast_in_dim3A_75, %slice3A_72, %broadcast_in_dim3A_76 : vector<2048x32xi1>, vector<2048x32xf32>
    %add3A_78 = arith.addf %add3A_58, %select_n3A_77 : vector<2048x32xf32>
    %eq3A_79 = arith.constant 3 : i32
    %eq3A_80 = vector.broadcast %eq3A_79 : i32 to vector<2048x1xi32>
    %eq3A_81 = arith.cmpi eq, %get3A_4, %eq3A_80 : vector<2048x1xi32>
    %slice3A_82 = vector.extract_strided_slice %get3A_10 {offsets = [0, 96], sizes = [2048, 32], strides = [1, 1]} : vector<2048x128xf32> to vector<2048x32xf32>
    %jit3A_83 = arith.constant 0.000000e+00 : f32
    %broadcast_in_dim3A_84 = vector.shape_cast %eq3A_81 : vector<2048x1xi1> to vector<2048x1xi1>
    %broadcast_in_dim3A_85 = vector.broadcast %broadcast_in_dim3A_84 : vector<2048x1xi1> to vector<2048x32xi1>
    %broadcast_in_dim3A_86 = vector.broadcast %jit3A_83 : f32 to vector<2048x32xf32>
    %select_n3A_87 = arith.select %broadcast_in_dim3A_85, %slice3A_82, %broadcast_in_dim3A_86 : vector<2048x32xi1>, vector<2048x32xf32>
    %add3A_88 = arith.addf %add3A_68, %select_n3A_87 : vector<2048x32xf32>
    %iota3A = tpu.iota {dimensions = array<i32: 1>} : vector<2048x128xi32>
    %get3A_89 = arith.constant 0 : index
    %get3A_90 = arith.constant 0 : index
    %get3A_91 = vector.load %arg5[%get3A_89, %get3A_90] : memref<2048x1xi32, #tpu.memory_space<vmem>>, vector<2048x1xi32>
    %eq3A_92 = vector.broadcast %get3A_91 : vector<2048x1xi32> to vector<2048x128xi32>
    %eq3A_93 = arith.cmpi eq, %iota3A, %eq3A_92 : vector<2048x128xi32>
    %get3A_94 = arith.constant 0 : index
    %get3A_95 = arith.constant 0 : index
    %get3A_96 = vector.load %arg7[%get3A_94, %get3A_95] : memref<2048x128xf32, #tpu.memory_space<vmem>>, vector<2048x128xf32>
    %jit3A_97 = arith.constant 0.000000e+00 : f32
    %broadcast_in_dim3A_98 = vector.broadcast %jit3A_97 : f32 to vector<2048x128xf32>
    %select_n3A_99 = arith.select %eq3A_93, %get3A_96, %broadcast_in_dim3A_98 : vector<2048x128xi1>, vector<2048x128xf32>
    %reduce_sum3A = arith.constant dense<0.000000e+00> : vector<2048xf32>
    %reduce_sum3A_100 = vector.multi_reduction <add>, %select_n3A_99, %reduce_sum3A [1] : vector<2048x128xf32> to vector<2048xf32>
    %broadcast_in_dim3A_101 = vector.shape_cast %reduce_sum3A_100 : vector<2048xf32> to vector<2048x1xf32>
    %get3A_102 = arith.constant 0 : index
    %get3A_103 = arith.constant 0 : index
    %get3A_104 = vector.load %arg6[%get3A_102, %get3A_103] : memref<2048x1xi32, #tpu.memory_space<vmem>>, vector<2048x1xi32>
    %eq3A_105 = vector.broadcast %get3A_104 : vector<2048x1xi32> to vector<2048x128xi32>
    %eq3A_106 = arith.cmpi eq, %iota3A, %eq3A_105 : vector<2048x128xi32>
    %get3A_107 = arith.constant 0 : index
    %get3A_108 = arith.constant 0 : index
    %get3A_109 = vector.load %arg8[%get3A_107, %get3A_108] : memref<2048x128xf32, #tpu.memory_space<vmem>>, vector<2048x128xf32>
    %jit3A_110 = arith.constant 0.000000e+00 : f32
    %broadcast_in_dim3A_111 = vector.broadcast %jit3A_110 : f32 to vector<2048x128xf32>
    %select_n3A_112 = arith.select %eq3A_106, %get3A_109, %broadcast_in_dim3A_111 : vector<2048x128xi1>, vector<2048x128xf32>
    %reduce_sum3A_113 = arith.constant dense<0.000000e+00> : vector<2048xf32>
    %reduce_sum3A_114 = vector.multi_reduction <add>, %select_n3A_112, %reduce_sum3A_113 [1] : vector<2048x128xf32> to vector<2048xf32>
    %broadcast_in_dim3A_115 = vector.shape_cast %reduce_sum3A_114 : vector<2048xf32> to vector<2048x1xf32>
    %get3A_116 = arith.constant 0 : index
    %get3A_117 = arith.constant 0 : index
    %get3A_118 = vector.load %arg9[%get3A_116, %get3A_117] : memref<32x128xf32, #tpu.memory_space<vmem>>, vector<32x128xf32>
    %dot_general3A = arith.constant dense<0.000000e+00> : vector<2048x128xf32>
    %dot_general3A_119 = tpu.matmul %add3A_78, %get3A_118, %dot_general3A {dimension_numbers = #tpu.dot_dimension_numbers<[1], [0], [0], [1], [0, 0, 1, 1], [], []>, transpose_lhs_hint = false} : vector<2048x32xf32>, vector<32x128xf32>, vector<2048x128xf32> -> vector<2048x128xf32>
    %get3A_120 = arith.constant 0 : index
    %get3A_121 = arith.constant 0 : index
    %get3A_122 = vector.load %arg10[%get3A_120, %get3A_121] : memref<1x128xf32, #tpu.memory_space<vmem>>, vector<1x128xf32>
    %add3A_123 = vector.broadcast %get3A_122 : vector<1x128xf32> to vector<2048x128xf32>
    %add3A_124 = arith.addf %dot_general3A_119, %add3A_123 : vector<2048x128xf32>
    %get3A_125 = arith.constant 0 : index
    %get3A_126 = arith.constant 0 : index
    %get3A_127 = vector.load %arg11[%get3A_125, %get3A_126] : memref<32x128xf32, #tpu.memory_space<vmem>>, vector<32x128xf32>
    %dot_general3A_128 = arith.constant dense<0.000000e+00> : vector<2048x128xf32>
    %dot_general3A_129 = tpu.matmul %add3A_78, %get3A_127, %dot_general3A_128 {dimension_numbers = #tpu.dot_dimension_numbers<[1], [0], [0], [1], [0, 0, 1, 1], [], []>, transpose_lhs_hint = false} : vector<2048x32xf32>, vector<32x128xf32>, vector<2048x128xf32> -> vector<2048x128xf32>
    %get3A_130 = arith.constant 0 : index
    %get3A_131 = arith.constant 0 : index
    %get3A_132 = vector.load %arg12[%get3A_130, %get3A_131] : memref<1x128xf32, #tpu.memory_space<vmem>>, vector<1x128xf32>
    %add3A_133 = vector.broadcast %get3A_132 : vector<1x128xf32> to vector<2048x128xf32>
    %add3A_134 = arith.addf %dot_general3A_129, %add3A_133 : vector<2048x128xf32>
    %concatenate3A = tpu.concatenate %add3A_88, %add3A_88, %add3A_88, %add3A_88 in 1 : vector<2048x32xf32>, vector<2048x32xf32>, vector<2048x32xf32>, vector<2048x32xf32> -> vector<2048x128xf32>
    %mul3A = arith.mulf %add3A_124, %concatenate3A : vector<2048x128xf32>
    %mul3A_135 = arith.mulf %add3A_134, %concatenate3A : vector<2048x128xf32>
    %iota3A_136 = tpu.iota {dimensions = array<i32: 0>} : vector<128x128xi32>
    %jit3A_137 = arith.constant 32 : i32
    %div3A = vector.broadcast %jit3A_137 : i32 to vector<128x128xi32>
    %div3A_138 = arith.divsi %iota3A_136, %div3A : vector<128x128xi32>
    %sign3A = arith.constant 0 : i32
    %sign3A_139 = vector.broadcast %sign3A : i32 to vector<128x128xi32>
    %sign3A_140 = arith.cmpi sgt, %iota3A_136, %sign3A_139 : vector<128x128xi32>
    %sign3A_141 = arith.extui %sign3A_140 : vector<128x128xi1> to vector<128x128xi32>
    %sign3A_142 = arith.constant 0 : i32
    %sign3A_143 = vector.broadcast %sign3A_142 : i32 to vector<128x128xi32>
    %sign3A_144 = arith.cmpi slt, %iota3A_136, %sign3A_143 : vector<128x128xi32>
    %sign3A_145 = arith.extui %sign3A_144 : vector<128x128xi1> to vector<128x128xi32>
    %sign3A_146 = arith.subi %sign3A_141, %sign3A_145 : vector<128x128xi32>
    %sign3A_147 = arith.constant 0 : i32
    %sign3A_148 = arith.cmpi sgt, %jit3A_137, %sign3A_147 : i32
    %sign3A_149 = arith.extui %sign3A_148 : i1 to i32
    %sign3A_150 = arith.constant 0 : i32
    %sign3A_151 = arith.cmpi slt, %jit3A_137, %sign3A_150 : i32
    %sign3A_152 = arith.extui %sign3A_151 : i1 to i32
    %sign3A_153 = arith.subi %sign3A_149, %sign3A_152 : i32
    %ne3A = vector.broadcast %sign3A_153 : i32 to vector<128x128xi32>
    %ne3A_154 = arith.cmpi ne, %sign3A_146, %ne3A : vector<128x128xi32>
    %rem3A = vector.broadcast %jit3A_137 : i32 to vector<128x128xi32>
    %rem3A_155 = arith.remsi %iota3A_136, %rem3A : vector<128x128xi32>
    %ne3A_156 = arith.constant 0 : i32
    %ne3A_157 = vector.broadcast %ne3A_156 : i32 to vector<128x128xi32>
    %ne3A_158 = arith.cmpi ne, %rem3A_155, %ne3A_157 : vector<128x128xi32>
    %and3A = arith.andi %ne3A_154, %ne3A_158 : vector<128x128xi1>
    %sub3A = arith.constant 1 : i32
    %sub3A_159 = vector.broadcast %sub3A : i32 to vector<128x128xi32>
    %sub3A_160 = arith.subi %div3A_138, %sub3A_159 : vector<128x128xi32>
    %select_n3A_161 = arith.select %and3A, %sub3A_160, %div3A_138 : vector<128x128xi1>, vector<128x128xi32>
    %iota3A_162 = tpu.iota {dimensions = array<i32: 1>} : vector<128x128xi32>
    %jit3A_163 = arith.constant 32 : i32
    %div3A_164 = vector.broadcast %jit3A_163 : i32 to vector<128x128xi32>
    %div3A_165 = arith.divsi %iota3A_162, %div3A_164 : vector<128x128xi32>
    %sign3A_166 = arith.constant 0 : i32
    %sign3A_167 = vector.broadcast %sign3A_166 : i32 to vector<128x128xi32>
    %sign3A_168 = arith.cmpi sgt, %iota3A_162, %sign3A_167 : vector<128x128xi32>
    %sign3A_169 = arith.extui %sign3A_168 : vector<128x128xi1> to vector<128x128xi32>
    %sign3A_170 = arith.constant 0 : i32
    %sign3A_171 = vector.broadcast %sign3A_170 : i32 to vector<128x128xi32>
    %sign3A_172 = arith.cmpi slt, %iota3A_162, %sign3A_171 : vector<128x128xi32>
    %sign3A_173 = arith.extui %sign3A_172 : vector<128x128xi1> to vector<128x128xi32>
    %sign3A_174 = arith.subi %sign3A_169, %sign3A_173 : vector<128x128xi32>
    %sign3A_175 = arith.constant 0 : i32
    %sign3A_176 = arith.cmpi sgt, %jit3A_163, %sign3A_175 : i32
    %sign3A_177 = arith.extui %sign3A_176 : i1 to i32
    %sign3A_178 = arith.constant 0 : i32
    %sign3A_179 = arith.cmpi slt, %jit3A_163, %sign3A_178 : i32
    %sign3A_180 = arith.extui %sign3A_179 : i1 to i32
    %sign3A_181 = arith.subi %sign3A_177, %sign3A_180 : i32
    %ne3A_182 = vector.broadcast %sign3A_181 : i32 to vector<128x128xi32>
    %ne3A_183 = arith.cmpi ne, %sign3A_174, %ne3A_182 : vector<128x128xi32>
    %rem3A_184 = vector.broadcast %jit3A_163 : i32 to vector<128x128xi32>
    %rem3A_185 = arith.remsi %iota3A_162, %rem3A_184 : vector<128x128xi32>
    %ne3A_186 = arith.constant 0 : i32
    %ne3A_187 = vector.broadcast %ne3A_186 : i32 to vector<128x128xi32>
    %ne3A_188 = arith.cmpi ne, %rem3A_185, %ne3A_187 : vector<128x128xi32>
    %and3A_189 = arith.andi %ne3A_183, %ne3A_188 : vector<128x128xi1>
    %sub3A_190 = arith.constant 1 : i32
    %sub3A_191 = vector.broadcast %sub3A_190 : i32 to vector<128x128xi32>
    %sub3A_192 = arith.subi %div3A_165, %sub3A_191 : vector<128x128xi32>
    %select_n3A_193 = arith.select %and3A_189, %sub3A_192, %div3A_165 : vector<128x128xi1>, vector<128x128xi32>
    %eq3A_194 = arith.cmpi eq, %select_n3A_161, %select_n3A_193 : vector<128x128xi32>
    %convert_element_type3A = arith.extui %eq3A_194 : vector<128x128xi1> to vector<128x128xi32>
    %convert_element_type3A_195 = arith.sitofp %convert_element_type3A : vector<128x128xi32> to vector<128x128xf32>
    %dot_general3A_196 = arith.constant dense<0.000000e+00> : vector<2048x128xf32>
    %dot_general3A_197 = tpu.matmul %mul3A_135, %convert_element_type3A_195, %dot_general3A_196 {dimension_numbers = #tpu.dot_dimension_numbers<[1], [0], [0], [1], [0, 0, 1, 1], [], []>, transpose_lhs_hint = false} : vector<2048x128xf32>, vector<128x128xf32>, vector<2048x128xf32> -> vector<2048x128xf32>
    %exp3A = math.exp %dot_general3A_197 : vector<2048x128xf32>
    %reduce_sum3A_198 = arith.constant dense<0.000000e+00> : vector<2048xf32>
    %reduce_sum3A_199 = vector.multi_reduction <add>, %exp3A, %reduce_sum3A_198 [1] : vector<2048x128xf32> to vector<2048xf32>
    %broadcast_in_dim3A_200 = vector.shape_cast %reduce_sum3A_199 : vector<2048xf32> to vector<2048x1xf32>
    %mul3A_201 = arith.mulf %exp3A, %mul3A : vector<2048x128xf32>
    %reduce_sum3A_202 = arith.constant dense<0.000000e+00> : vector<2048xf32>
    %reduce_sum3A_203 = vector.multi_reduction <add>, %mul3A_201, %reduce_sum3A_202 [1] : vector<2048x128xf32> to vector<2048xf32>
    %broadcast_in_dim3A_204 = vector.shape_cast %reduce_sum3A_203 : vector<2048xf32> to vector<2048x1xf32>
    %mul3A_205 = arith.constant 3.200000e+01 : f32
    %mul3A_206 = vector.broadcast %mul3A_205 : f32 to vector<2048x1xf32>
    %mul3A_207 = arith.mulf %broadcast_in_dim3A_204, %mul3A_206 : vector<2048x1xf32>
    %div3A_208 = arith.divf %mul3A_207, %broadcast_in_dim3A_200 : vector<2048x1xf32>
    %add3A_209 = arith.addf %div3A_208, %broadcast_in_dim3A_101 : vector<2048x1xf32>
    %add3A_210 = arith.addf %add3A_209, %broadcast_in_dim3A_115 : vector<2048x1xf32>
    %swap3A = arith.constant 0 : index
    %swap3A_211 = arith.constant 0 : index
    %swap3A_212 = vector.load %arg13[%swap3A, %swap3A_211] : memref<2048x1xf32, #tpu.memory_space<vmem>>, vector<2048x1xf32>
    tpu.vector_store %arg13[%swap3A, %swap3A_211], %add3A_210 {strides = array<i32>} : memref<2048x1xf32, #tpu.memory_space<vmem>>, vector<2048x1xf32>,
    return
  }
  func.func @transform_0(%arg0: i32) -> (i32, i32) {
    %c0_i32 = arith.constant 0 : i32
    %c0_i32_0 = arith.constant 0 : i32
    return %arg0, %c0_i32 : i32, i32
  }
  func.func @transform_1(%arg0: i32) -> (i32, i32) {
    %c0_i32 = arith.constant 0 : i32
    %c0_i32_0 = arith.constant 0 : i32
    return %arg0, %c0_i32 : i32, i32
  }
  func.func @transform_2(%arg0: i32) -> (i32, i32) {
    %c0_i32 = arith.constant 0 : i32
    %c0_i32_0 = arith.constant 0 : i32
    return %arg0, %c0_i32 : i32, i32
  }
  func.func @transform_3(%arg0: i32) -> (i32, i32) {
    %c0_i32 = arith.constant 0 : i32
    %c0_i32_0 = arith.constant 0 : i32
    return %arg0, %c0_i32 : i32, i32
  }
  func.func @transform_4(%arg0: i32) -> (i32, i32) {
    %c0_i32 = arith.constant 0 : i32
    %c0_i32_0 = arith.constant 0 : i32
    return %arg0, %c0_i32 : i32, i32
  }
  func.func @transform_5(%arg0: i32) -> (i32, i32) {
    %c0_i32 = arith.constant 0 : i32
    %c0_i32_0 = arith.constant 0 : i32
    return %arg0, %c0_i32 : i32, i32
  }
  func.func @transform_6(%arg0: i32) -> (i32, i32) {
    %c0_i32 = arith.constant 0 : i32
    %c0_i32_0 = arith.constant 0 : i32
    return %arg0, %c0_i32 : i32, i32
  }
  func.func @transform_7(%arg0: i32) -> (i32, i32) {
    %c0_i32 = arith.constant 0 : i32
    %c0_i32_0 = arith.constant 0 : i32
    return %arg0, %c0_i32 : i32, i32
  }
  func.func @transform_8(%arg0: i32) -> (i32, i32) {
    %c0_i32 = arith.constant 0 : i32
    %c0_i32_0 = arith.constant 0 : i32
    %c0_i32_1 = arith.constant 0 : i32
    return %c0_i32, %c0_i32_0 : i32, i32
  }
  func.func @transform_9(%arg0: i32) -> (i32, i32) {
    %c0_i32 = arith.constant 0 : i32
    %c0_i32_0 = arith.constant 0 : i32
    %c0_i32_1 = arith.constant 0 : i32
    return %c0_i32, %c0_i32_0 : i32, i32
  }
  func.func @transform_10(%arg0: i32) -> (i32, i32) {
    %c0_i32 = arith.constant 0 : i32
    %c0_i32_0 = arith.constant 0 : i32
    %c0_i32_1 = arith.constant 0 : i32
    return %c0_i32, %c0_i32_0 : i32, i32
  }
  func.func @transform_11(%arg0: i32) -> (i32, i32) {
    %c0_i32 = arith.constant 0 : i32
    %c0_i32_0 = arith.constant 0 : i32
    %c0_i32_1 = arith.constant 0 : i32
    return %c0_i32, %c0_i32_0 : i32, i32
  }
  func.func @transform_12(%arg0: i32) -> (i32, i32) {
    %c0_i32 = arith.constant 0 : i32
    %c0_i32_0 = arith.constant 0 : i32
    return %arg0, %c0_i32 : i32, i32
  }
}

</mosaic_0001>

<sc_bundles>
// kernel: kernel.4.cloned.1.call-start
scs
__scs_entry_jumppad:
0x0: {  	(pc) =	sbr.rel $0x88, $3  }
0x1: {  	(tag) =	ssettag $0x0;
	lr =	simm.s32 $0x1  }
0x2: {  	[smem:$0x3F97] =	sst lr;
	_ =	strace $0xD0000000  }
0x3: {  	_ = 	snop  }
0x4: {  	_ = 	snop  }
0x5: {  	_ = 	snop  }
0x6: {  	_ = 	snop  }
0x7: {  	_ = 	snop  }
__scs_overlays_trampoline_lowered:
0x8: {  	[smem:$0x3FA6] =	sst s0  }
0x9: {  	[smem:$0x3FA7] =	sst s1  }
0xa: {  	[smem:$0x3FA8] =	sst s2  }
0xb: {  	[smem:$0x3FA9] =	sst s3  }
0xc: {  	[smem:$0x3FAA] =	sst s4  }
0xd: {  	[smem:$0x3FAB] =	sst s5  }
0xe: {  	[smem:$0x3FAC] =	sst s6  }
0xf: {  	[smem:$0x3FAD] =	sst s7  }
0x10: {  	[smem:$0x3FAE] =	sst s8  }
0x11: {  	[smem:$0x3FAF] =	sst s9;
	s0 =	simm.s32 @!p0 $0x0  }
0x12: {  	s1 =	sld [smem:$0x3F95];
	s0 =	simm.s32 @p0 $0x1  }
0x13: {  	[smem:$0x3FB0] =	sst s0;
	s0 =	simm.s32 @!p1 $0x0  }
0x14: {  	s2 =	sld [smem:$0x3F94];
	s0 =	simm.s32 @p1 $0x1  }
0x15: {  	[smem:$0x3FB1] =	sst s0;
	s0 =	simm.s32 @!p2 $0x0  }
0x16: {  	s3 =	sld [smem:$0x3FDB];
	s0 =	simm.s32 @p2 $0x1  }
0x17: {  	s4 =	simm.s32 $0x1BF5;
	[smem:$0x3FB3] =	sst s0  }
0x18: {  	s0 =	sld [smem:$0x3F96];
	_ =	swait.ge [sflag:s4], $0x0  }
0x19: {  	s7 =	sld [smem:$0x3F97]  }
0x1a: {  	s8 =	sadd.s32 $0xFFFFE003, lr  }
0x1b: {  	s9 =	sadd.s32 $0xFFFFFEF7, lr;
	s5 =	simm.s32 $0xFFFFFFFF;
	p2 =	slt.u32 s8, $0xFFFFF086  }
0x1c: {  	p1 =	slt.u32 s9, $0xF7A;
	s5 =	simm.s32 @!p2 $0x0  }
0x1d: {  	s5 =	simm.s32 @p1 $0x1;
	p0 =	seq.s32 s7, s2  }
0x1e: {  	s7 =	smul.u32 @!p0 $0xF7A, s2;
	p2 =	seq.s32 @!p0 s5, $0x0  }
0x1f: {  	s9 =	smul.u32 $0xF7A, s1;
	s8 =	simm.s32 @!p0 $0x1BF5;
	p2 =	por !p2, p0  }
0x20: {  	[sflag:s8] =	ssyncset.s32 @!p0 $0xFFFFF086;
	s6 =	sadd.s32 @!p0 s3, s7;
	s7 =	simm.s32 @!p0 $0x108  }
0x21: {  	s3 =	sadd.s32 s3, s9;
	s6 =	sadd.s32 @!p0 $0x88, s6;
	s7 =	simm.s32 @p2 $0x1082  }
0x22: {  	[simem:s7], [sflag:s8] =	dma.local @!p0 [hbm:s6], $0xF7A  }
0x23: {  	s9 =	sor.u32 $0xD0000000, s2;
	s6 =	simm.s32 $0x108;
	_ =	swait.ge @!p0 [sflag:s8], $0x0  }
0x24: {  	s3 =	sadd.s32 $0x88, s3;
	s6 =	simm.s32 @!p1 $0x1082;
	[sflag:s4] =	ssyncset.s32 $0xFFFFF086  }
0x25: {  	[simem:s6], [sflag:s4] =	dma.local [hbm:s3], $0xF7A  }
0x26: {  	[smem:$0x3F97] =	sst s1;
	(tag) =	ssettag s2;
	_ =	strace s9  }
0x27: {  	s1 =	sld [smem:$0x3FA7]  }
0x28: {  	s2 =	sld [smem:$0x3FA8]  }
0x29: {  	s4 =	sld [smem:$0x3FAA]  }
0x2a: {  	p0 =	seq.s32 s5, $0x0;
	s5 =	sld [smem:$0x3FAB]  }
0x2b: {  	s6 =	sld [smem:$0x3FAC]  }
0x2c: {  	s7 =	sld [smem:$0x3FAD]  }
0x2d: {  	s3 =	simm.s32 $0x108;
	s8 =	sld [smem:$0x3FAE]  }
0x2e: {  	s3 =	simm.s32 @!p0 $0x1082;
	s9 =	sld [smem:$0x3FAF]  }
0x2f: {  	lr =	sadd.s32 s0, s3;
	s0 =	sld [smem:$0x3FA6]  }
0x30: {  	s3 =	sld [smem:$0x3FA9]  }
0x31: {  	[smem:$0x3FB2] =	sst s10  }
0x32: {  	s10 =	sld [smem:$0x3FB0];
	_ =	sdelay $0x3  }
0x33: {  	p0 =	seq.s32 s10, $0x1;
	s10 =	sld [smem:$0x3FB2];
	_ =	sdelay $0x3  }
0x34: {  	[smem:$0x3FB2] =	sst s10  }
0x35: {  	s10 =	sld [smem:$0x3FB1];
	_ =	sdelay $0x3  }
0x36: {  	p1 =	seq.s32 s10, $0x1;
	s10 =	sld [smem:$0x3FB2];
	_ =	sdelay $0x3  }
0x37: {  	[smem:$0x3FB2] =	sst s10  }
0x38: {  	s10 =	sld [smem:$0x3FB3]  }
0x39: {  	_ = 	snop;
	(pc) =	sbr.ind lr, $3  }
0x3a: {  	_ = 	snop  }
0x3b: {  	_ = 	snop  }
0x3c: {  	p2 =	seq.s32 s10, $0x1;
	s10 =	sld [smem:$0x3FB2]  }
0x3d: {  	_ =	shalt  }
0x3e: {  	_ =	shalt  }
0x3f: {  	_ =	shalt  }
0x40: {  	_ =	shalt  }
0x41: {  	_ =	shalt  }
0x42: {  	_ =	shalt  }
0x43: {  	_ =	shalt  }
0x44: {  	_ =	shalt  }
0x45: {  	_ =	shalt  }
0x46: {  	_ =	shalt  }
0x47: {  	_ =	shalt  }
0x48: {  	_ =	shalt  }
0x49: {  	_ =	shalt  }
0x4a: {  	_ =	shalt  }
0x4b: {  	_ =	shalt  }
0x4c: {  	_ =	shalt  }
0x4d: {  	_ =	shalt  }
0x4e: {  	_ =	shalt  }
0x4f: {  	_ =	shalt  }
0x50: {  	_ =	shalt  }
0x51: {  	_ =	shalt  }
0x52: {  	_ =	shalt  }
0x53: {  	_ =	shalt  }
0x54: {  	_ =	shalt  }
0x55: {  	_ =	shalt  }
0x56: {  	_ =	shalt  }
0x57: {  	_ =	shalt  }
0x58: {  	_ =	shalt  }
0x59: {  	_ =	shalt  }
0x5a: {  	_ =	shalt  }
0x5b: {  	_ =	shalt  }
0x5c: {  	_ =	shalt  }
0x5d: {  	_ =	shalt  }
0x5e: {  	_ =	shalt  }
0x5f: {  	_ =	shalt  }
0x60: {  	_ =	shalt  }
0x61: {  	_ =	shalt  }
0x62: {  	_ =	shalt  }
0x63: {  	_ =	shalt  }
0x64: {  	_ =	shalt  }
0x65: {  	_ =	shalt  }
0x66: {  	_ =	shalt  }
0x67: {  	_ =	shalt  }
0x68: {  	_ =	shalt  }
0x69: {  	_ =	shalt  }
0x6a: {  	_ =	shalt  }
0x6b: {  	_ =	shalt  }
0x6c: {  	_ =	shalt  }
0x6d: {  	_ =	shalt  }
0x6e: {  	_ =	shalt  }
0x6f: {  	_ =	shalt  }
0x70: {  	_ =	shalt  }
0x71: {  	_ =	shalt  }
0x72: {  	_ =	shalt  }
0x73: {  	_ =	shalt  }
0x74: {  	_ =	shalt  }
0x75: {  	_ =	shalt  }
0x76: {  	_ =	shalt  }
0x77: {  	_ =	shalt  }
0x78: {  	_ =	shalt  }
0x79: {  	_ =	shalt  }
0x7a: {  	_ =	shalt  }
0x7b: {  	_ =	shalt  }
0x7c: {  	_ =	shalt  }
0x7d: {  	_ =	shalt  }
0x7e: {  	_ =	shalt  }
0x7f: {  	_ =	shalt  }
0x80: {  	_ =	shalt  }
0x81: {  	_ =	shalt  }
0x82: {  	_ =	shalt  }
0x83: {  	_ =	shalt  }
0x84: {  	_ =	shalt  }
0x85: {  	_ =	shalt  }
0x86: {  	_ =	shalt  }
0x87: {  	_ =	shalt  }
.Lfunc_end0:
.L_simem_size_0:
called_computation_lowered:
.L_overlay_start_0:
0x88: {  	s2 =	sld [smem:$0x3FD9]  }
0x89: {  	s3 =	sld [smem:$0x3FFE];
	_ =	sdelay $0x1  }
0x8a: {  	s1 =	srdreg.scid  }
0x8b: {  	s0 =	sand.u32 $0x1, s1  }
0x8c: {  	s16 =	sshll.u32 s0, $0xA;
	s2 =	sadd.s32 s3, s2  }
0x8d: {  	s2 =	sadd.s32 s2, s16  }
0x8e: {  	[smem:$0x3FBE] =	sst s2  }
0x8f: {  	_ = 	snop  }
0x90: {  	(tm) =	ssettm $0x1  }
0x91: {  	s17 =	sld [smem:$0x3FFB];
	_ =	sdelay $0x3  }
0x92: {  	_ =	strace s17  }
0x93: {  	s2 =	sld [smem:$0x3FFC];
	_ =	sdelay $0x3  }
0x94: {  	_ =	strace s2  }
0x95: {  	s2 =	sld [smem:$0x3FFD];
	_ =	sdelay $0x3  }
0x96: {  	_ =	strace s2  }
0x97: {  	_ =	strace $0x8FFFFFFF  }
0x98: {  	s18 =	sld [smem:$0x3FDB];
	_ =	sdelay $0x1  }
0x99: {  	s19 =	simm.s32 $_scs_section_size  }
0x9a: {  	s4 =	simm.s32 $_size__tile_overlayer_lowered;
	s5 =	simm.s32 $_tile_overlayer_lowered  }
0x9b: {  	s22 =	simm.s32 $0x1BFF;
	s21 =	sshll.u32 s5, $0x1;
	s2 =	sadd.s32 s19, s18  }
0x9c: {  	s6 =	simm.s32 $0x0;
	s20 =	sshll.u32 s4, $0x1;
	s4 =	sadd.s32 s21, s2  }
0x9d: {  	[timem:s6], [sflag:s22] =	dma.local [hbm:s4], s20  }
0x9e: {  	_ =	swait.ge [sflag:s22], s20  }
0x9f: {  	s3 =	ssub.s32 $0x0, s20;
	[sflag:s22] =	ssyncset.done $0x0  }
0xa0: {  	[sflag:s22] =	ssyncadd.s32 s3;
	_ =	sdelay $0x1  }
0xa1: {  	s23 =	simm.s32 $0x1B8B  }
0xa2: {  	_ =	swait.ge [sflag:s23], $0x1  }
0xa3: {  	[sflag:s23] =	ssyncset.done $0x0  }
0xa4: {  	s25 =	simm.s32 $0x1B8E;
	s24 =	sld [smem:$0x3FFE];
	[sflag:s23] =	ssyncadd.s32 $0xFFFFFFFF  }
0xa5: {  	s26 =	simm.s32 $execute0_lowered;
	[smem:$0x3FD2] =	sst s25  }
0xa6: {  	s4 =	sshll.u32 s26, $0x1;
	_ =	strace $0x80000046;
	[dreg:$0x1] =	wrdreg $0xFFFFFFFF  }
0xa7: {  	s28 =	simm.s32 $_size_execute0_lowered;
	s2 =	sadd.s32 s2, s4;
	[dreg:$0x0] =	wrdreg $0x0  }
0xa8: {  	s4 =	sshll.u32 s28, $0x1;
	[dreg:$0x2] =	wrdreg s2  }
0xa9: {  	[dreg:$0x3] =	wrdreg s4  }
0xaa: {  	[dreg:$0x4] =	wrdreg $0xC0  }
0xab: {  	_ =	task [dreg:s6], $0x5FFFF  }
0xac: {  	[dreg:$0x1] =	wrdreg $0xFFFFFFFF  }
0xad: {  	[dreg:$0x0] =	wrdreg $0x60  }
0xae: {  	[dreg:$0x2] =	wrdreg s24  }
0xaf: {  	[dreg:$0x3] =	wrdreg $0x9  }
0xb0: {  	_ =	task.clear_ibuf [dreg:s6], $0x4FFFF;
	_ =	strace $0x90000046  }
0xb1: {  	s29 =	simm.s32 $0x9;
	_ =	strace $0x80000048  }
0xb2: {  	_ =	swait.ge [sflag:s29], $0x1  }
0xb3: {  	[sflag:s29] =	ssyncadd.s32 $0xFFFFFFFF  }
0xb4: {  	_ =	strace $0x90000048  }
0xb5: {  	_ =	sfence  }
0xb6: {  	s30 =	sld [smem:$0x0];
	_ =	sdelay $0x2  }
0xb7: {  	s31 =	sshll.u32 s1, $0xD;
	s1 =	sshrl.u32 s1, $0x2  }
0xb8: {  	s3 =	sand.u32 $0x4000, s31;
	s1 =	sadd.s32 s1, s30  }
0xb9: {  	s0 =	sor.u32 s3, s0;
	s1 =	sshll.u32 s1, $0x11  }
0xba: {  	s0 =	sor.u32 s1, s0  }
0xbb: {  	s0 =	sadd.s32 $0x8F2B, s0  }
0xbc: {  	[sflag:s0] =	ssyncadd.remote.s32 $0x1  }
0xbd: {  	_ =	sfence.sel $0xFFFF  }
0xbe: {  	[dreg:$0x0] =	wrdreg $0xFFFFFFFF;
	(pc) =	sbr.abs _section_cstart, $3  }
0xbf: {  	[dreg:$0x1] =	wrdreg $0xFFFFFFFF  }
0xc0: {  	_ =	task.clear_ibuf [dreg:s6], $0x2FFFF;
	_ =	strace $0x9FFFFFFF  }
0xc1: {  	(tm) =	ssettm $0x7FFFFFFF  }
tec
execute0_lowered:
.L_overlay_start_1:
0x0: {  	(tag) =	ssettag $0x1  }
0x1: {  	s0 =	rddreg [dreg:$0x0];
	s1 =	simm.s32 $0x0  }
0x2: {  	s15 =	srdreg.scid;
	[smem:$0x7FF] =	sst s1;
	s3 =	sadd.s32 $0x3600, s0  }
0x3: {  	s16 =	sadd.s32 $0x2E00, s0;
	_ =	strace $0x80000047;
	[dreg:$0x2] =	wrdreg s3  }
0x4: {  	s4 =	stileid.u32;
	s2 =	sadd.s32 $0xF43A00, s0;
	[dreg:$0x3] =	wrdreg s16  }
0x5: {  	s1 =	sand.u32 $0x1, s15;
	s17 =	sadd.s32 $0x1314400, s0;
	[smem:$0x7ED] =	sst s2  }
0x6: {  	s4 =	sshll.u32 s4, $0x1;
	s18 =	sadd.s32 $0x22800, s0;
	[smem:$0x7EE] =	sst s17  }
0x7: {  	s13 =	simm.s32 $0x4000;
	s7 =	sor.u32 s1, s4;
	[smem:$0x7EF] =	sst s18  }
0x8: {  	[dreg:$0xc] =	wrdreg s13;
	s6 =	sshll.u32 s7, $0xD;
	s3 =	sshll.u32 s7, $0x9  }
0x9: {  	s11 =	sadd.s32 s6, s0;
	s0 =	sadd.s32 $0x3E00, s0;
	[smem:$0x7FC] =	sst s3  }
0xa: {  	s20 =	sor.u32 $0x4000, s3;
	[smem:$0x7F0] =	sst s0  }
0xb: {  	s21 =	sor.u32 $0x4080, s3;
	[dreg:$0x5] =	wrdreg s20  }
0xc: {  	s23 =	sor.u32 $0x180, s3;
	[dreg:$0x6] =	wrdreg s21  }
0xd: {  	s22 =	sor.u32 $0x4100, s3;
	[dreg:$0x1e] =	wrdreg s23  }
0xe: {  	s25 =	sor.u32 $0x80, s3;
	[dreg:$0x7] =	wrdreg s22  }
0xf: {  	s24 =	sor.u32 $0x4180, s3;
	[dreg:$0x1f] =	wrdreg s25  }
0x10: {  	s28 =	sor.u32 $0x100, s3;
	[dreg:$0x8] =	wrdreg s24  }
0x11: {  	s29 =	sor.u32 $0x10, s3;
	[smem:$0x7F1] =	sst s28  }
0x12: {  	s30 =	sor.u32 $0x20, s3;
	[dreg:$0xd] =	wrdreg s29  }
0x13: {  	s31 =	sor.u32 $0x30, s3;
	[dreg:$0xe] =	wrdreg s30  }
0x14: {  	s2 =	sor.u32 $0x40, s3;
	[dreg:$0xf] =	wrdreg s31  }
0x15: {  	s4 =	sor.u32 $0x50, s3;
	[dreg:$0x10] =	wrdreg s2  }
0x16: {  	s5 =	sor.u32 $0x60, s3;
	[dreg:$0x11] =	wrdreg s4  }
0x17: {  	s1 =	ssub.s32 $0x2, s1;
	s6 =	sor.u32 $0x70, s3;
	[dreg:$0x12] =	wrdreg s5  }
0x18: {  	s8 =	sshrl.u32 s1, $0x1;
	s7 =	sor.u32 $0x90, s3;
	[dreg:$0x13] =	wrdreg s6  }
0x19: {  	s1 =	ssub.s32 s1, s8;
	s8 =	sor.u32 $0xA0, s3;
	[dreg:$0x14] =	wrdreg s7  }
0x1a: {  	s12 =	sor.u32 $0xB0, s3;
	[dreg:$0x15] =	wrdreg s8  }
0x1b: {  	s14 =	sor.u32 $0xD0, s3;
	[dreg:$0x16] =	wrdreg s12  }
0x1c: {  	s15 =	sor.u32 $0xE0, s3;
	[dreg:$0x18] =	wrdreg s14  }
0x1d: {  	s16 =	sor.u32 $0xF0, s3;
	[dreg:$0x19] =	wrdreg s15  }
0x1e: {  	s17 =	sor.u32 $0x110, s3;
	[dreg:$0x1a] =	wrdreg s16  }
0x1f: {  	s18 =	sor.u32 $0x120, s3;
	[dreg:$0x1b] =	wrdreg s17  }
0x20: {  	s19 =	sadd.s32 $0x41200, s11;
	[dreg:$0x1c] =	wrdreg s18  }
0x21: {  	s26 =	sadd.s32 $0x81200, s11;
	[dreg:$0x4] =	wrdreg s19  }
0x22: {  	s9 =	sadd.s32 $0xC1200, s11;
	[dreg:$0x9] =	wrdreg s26  }
0x23: {  	s12 =	sor.u32 $0xC0, s3;
	[dreg:$0xa] =	wrdreg s9  }
0x24: {  	s10 =	sadd.s32 $0x101200, s11;
	[dreg:$0x17] =	wrdreg s12  }
0x25: {  	s20 =	sor.u32 $0x140, s3;
	[dreg:$0xb] =	wrdreg s10  }
0x26: {  	s21 =	sor.u32 $0x150, s3;
	[smem:$0x7F2] =	sst s20  }
0x27: {  	s22 =	sor.u32 $0x160, s3;
	[smem:$0x7F3] =	sst s21  }
0x28: {  	s23 =	sor.u32 $0x170, s3;
	[smem:$0x7F4] =	sst s22  }
0x29: {  	s24 =	sor.u32 $0x190, s3;
	[smem:$0x7F5] =	sst s23  }
0x2a: {  	s25 =	sor.u32 $0x1A0, s3;
	[smem:$0x7F6] =	sst s24  }
0x2b: {  	s28 =	sor.u32 $0x1C0, s3;
	[smem:$0x7F7] =	sst s25  }
0x2c: {  	s29 =	sor.u32 $0x1D0, s3;
	[smem:$0x7F9] =	sst s28  }
0x2d: {  	s30 =	sor.u32 $0x1E0, s3;
	[smem:$0x7FA] =	sst s29  }
0x2e: {  	s31 =	sor.u32 $0x1F0, s3;
	[smem:$0x7FB] =	sst s30  }
0x2f: {  	s1 =	smax.u32 s1, $0x1;
	s19 =	sor.u32 $0x130, s3;
	[smem:$0x7FD] =	sst s31  }
0x30: {  	s18 =	simm.s32 $0x2;
	s26 =	sor.u32 $0x1B0, s3;
	[dreg:$0x1d] =	wrdreg s19  }
0x31: {  	s10 =	simm.s32 $0x80;
	s24 =	simm.s32 $0x1;
	[smem:$0x7F8] =	sst s26  }
.LBB2_1:
0x32: {  	[smem:$0x7EC] =	sst s1  }
0x33: {  	s26 =	rddreg [dreg:$0x2];
	s0 =	simm.s32 $0x0  }
0x34: {  	[tilespmem:s0], [sflag:$0x2] =	stream.linear.gather [hbm4b:s26+s0], $0x4000, $0x38;
	[tilespmem:$0x18200] =	vst v63  }
0x35: {  	_ =	swait.ge [sflag:s18], $0x4000  }
0x36: {  	s21 =	rddreg [dreg:$0x3];
	[sflag:s18] =	ssyncset.done $0x0  }
0x37: {  	s28 =	rddreg [dreg:$0xc];
	[sflag:s18] =	ssyncadd.s32 $0xFFFFC000  }
0x38: {  	[tilespmem:s28], [sflag:$0x2] =	stream.linear.gather [hbm4b:s21+s0], $0x4000, $0x38;
	[tilespmem:$0x18200] =	vst v63  }
0x39: {  	_ =	swait.ge [sflag:s18], $0x4000  }
0x3a: {  	s23 =	sld [smem:$0x7ED]  }
0x3b: {  	s20 =	sld [smem:$0x7FC]  }
0x3c: {  	[sflag:s18] =	ssyncset.done $0x0  }
0x3d: {  	s2 =	simm.s32 $0x8200;
	s4 =	rddreg [dreg:$0x1f];
	[sflag:s18] =	ssyncadd.s32 $0xFFFFC000  }
0x3e: {  	[tilespmem:s2], [sflag:$0x1] =	stream.indirect.gather [hbm4b:s23+s10], $0x80, s20, s10, $0xb8;
	[tilespmem:$0x18200] =	vst v63  }
0x3f: {  	s3 =	simm.s32 $0xC200;
	s7 =	sld [smem:$0x7F1]  }
0x40: {  	[tilespmem:s3], [sflag:$0x1] =	stream.indirect.gather [hbm4b:s23+s10], $0x80, s4, s10, $0xb8;
	[tilespmem:$0x18200] =	vst v63  }
0x41: {  	s30 =	simm.s32 $0x10200  }
0x42: {  	[tilespmem:s30], [sflag:$0x1] =	stream.indirect.gather [hbm4b:s23+s10], $0x80, s7, s10, $0xb8;
	[tilespmem:$0x18200] =	vst v63  }
0x43: {  	s31 =	simm.s32 $0x14200;
	s6 =	rddreg [dreg:$0x1e]  }
0x44: {  	[tilespmem:s31], [sflag:$0x1] =	stream.indirect.gather [hbm4b:s23+s10], $0x80, s6, s10, $0xb8;
	[tilespmem:$0x18200] =	vst v63  }
0x45: {  	_ =	swait.ge [sflag:s24], $0x4000  }
0x46: {  	[sflag:s24] =	ssyncset.done $0x0  }
0x47: {  	[sflag:s24] =	ssyncadd.s32 $0xFFFFC000  }
0x48: {  	_ =	swait.ge [sflag:s24], $0x4000  }
0x49: {  	[sflag:s24] =	ssyncset.done $0x0  }
0x4a: {  	[sflag:s24] =	ssyncadd.s32 $0xFFFFC000  }
0x4b: {  	_ =	swait.ge [sflag:s24], $0x4000  }
0x4c: {  	[sflag:s24] =	ssyncset.done $0x0  }
0x4d: {  	[sflag:s24] =	ssyncadd.s32 $0xFFFFC000  }
0x4e: {  	_ =	swait.ge [sflag:s24], $0x4000  }
0x4f: {  	s22 =	simm.s32 $0x0;
	[sflag:s24] =	ssyncset.done $0x0  }
0x50: {  	s25 =	simm.s32 $0x8200;
	s11 =	rddreg [dreg:$0x4];
	[sflag:s24] =	ssyncadd.s32 $0xFFFFC000  }
0x51: {  	[hbm4b:s11+s22] =	stream.linear.scatter [tilespmem:s25], [sflag:$0x2], $0x10000, $0x38;
	[tilespmem:$0x18200] =	vst v63  }
0x52: {  	_ =	swait.ge [sflag:s18], $0x10000  }
0x53: {  	s15 =	sld [smem:$0x7EE]  }
0x54: {  	[sflag:s18] =	ssyncset.done $0x0  }
0x55: {  	s13 =	rddreg [dreg:$0x5];
	[sflag:s18] =	ssyncadd.s32 $0xFFFF0000  }
0x56: {  	[tilespmem:s25], [sflag:$0x1] =	stream.indirect.gather [hbm4b:s15+s10], $0x80, s13, s10, $0xb8;
	[tilespmem:$0x18200] =	vst v63  }
0x57: {  	s29 =	simm.s32 $0xC200;
	s14 =	rddreg [dreg:$0x6]  }
0x58: {  	[tilespmem:s29], [sflag:$0x1] =	stream.indirect.gather [hbm4b:s15+s10], $0x80, s14, s10, $0xb8;
	[tilespmem:$0x18200] =	vst v63  }
0x59: {  	s5 =	simm.s32 $0x10200;
	s17 =	rddreg [dreg:$0x7]  }
0x5a: {  	[tilespmem:s5], [sflag:$0x1] =	stream.indirect.gather [hbm4b:s15+s10], $0x80, s17, s10, $0xb8;
	[tilespmem:$0x18200] =	vst v63  }
0x5b: {  	s8 =	smov.u32 s6;
	s6 =	simm.s32 $0x14200;
	s19 =	rddreg [dreg:$0x8]  }
0x5c: {  	[tilespmem:s6], [sflag:$0x1] =	stream.indirect.gather [hbm4b:s15+s10], $0x80, s19, s10, $0xb8;
	[tilespmem:$0x18200] =	vst v63  }
0x5d: {  	_ =	swait.ge [sflag:s24], $0x4000  }
0x5e: {  	[sflag:s24] =	ssyncset.done $0x0  }
0x5f: {  	[sflag:s24] =	ssyncadd.s32 $0xFFFFC000  }
0x60: {  	_ =	swait.ge [sflag:s24], $0x4000  }
0x61: {  	[sflag:s24] =	ssyncset.done $0x0  }
0x62: {  	[sflag:s24] =	ssyncadd.s32 $0xFFFFC000  }
0x63: {  	_ =	swait.ge [sflag:s24], $0x4000  }
0x64: {  	[sflag:s24] =	ssyncset.done $0x0  }
0x65: {  	[sflag:s24] =	ssyncadd.s32 $0xFFFFC000  }
0x66: {  	_ =	swait.ge [sflag:s24], $0x4000  }
0x67: {  	s12 =	simm.s32 $0x0;
	[sflag:s24] =	ssyncset.done $0x0  }
0x68: {  	s16 =	simm.s32 $0x8200;
	s21 =	rddreg [dreg:$0x9];
	[sflag:s24] =	ssyncadd.s32 $0xFFFFC000  }
0x69: {  	[hbm4b:s21+s12] =	stream.linear.scatter [tilespmem:s16], [sflag:$0x2], $0x10000, $0x38;
	[tilespmem:$0x18200] =	vst v63  }
0x6a: {  	_ =	swait.ge [sflag:s18], $0x10000  }
0x6b: {  	[sflag:s18] =	ssyncset.done $0x0  }
0x6c: {  	[sflag:s18] =	ssyncadd.s32 $0xFFFF0000  }
0x6d: {  	v0 =	vld [tilespmem:s20+$0x0];
	_ =	sdelay $0x4  }
0x6e: {  	v0 =	vshra.s32 v0, $0x5  }
0x6f: {  	s28 =	rddreg [dreg:$0xd];
	[tilespmem:$0x8000] =	vst v0  }
0x70: {  	v0 =	vld [tilespmem:s28+$0x0];
	_ =	sdelay $0x4  }
0x71: {  	v0 =	vshra.s32 v0, $0x5  }
0x72: {  	s29 =	rddreg [dreg:$0xe];
	[tilespmem:$0x8010] =	vst v0  }
0x73: {  	v0 =	vld [tilespmem:s29+$0x0];
	_ =	sdelay $0x4  }
0x74: {  	v0 =	vshra.s32 v0, $0x5  }
0x75: {  	s30 =	rddreg [dreg:$0xf];
	[tilespmem:$0x8020] =	vst v0  }
0x76: {  	v0 =	vld [tilespmem:s30+$0x0];
	_ =	sdelay $0x4  }
0x77: {  	v0 =	vshra.s32 v0, $0x5  }
0x78: {  	s31 =	rddreg [dreg:$0x10];
	[tilespmem:$0x8030] =	vst v0  }
0x79: {  	v0 =	vld [tilespmem:s31+$0x0];
	_ =	sdelay $0x4  }
0x7a: {  	v0 =	vshra.s32 v0, $0x5  }
0x7b: {  	s22 =	rddreg [dreg:$0x11];
	[tilespmem:$0x8040] =	vst v0  }
0x7c: {  	v0 =	vld [tilespmem:s22+$0x0];
	_ =	sdelay $0x4  }
0x7d: {  	v0 =	vshra.s32 v0, $0x5  }
0x7e: {  	s23 =	rddreg [dreg:$0x12];
	[tilespmem:$0x8050] =	vst v0  }
0x7f: {  	v0 =	vld [tilespmem:s23+$0x0];
	_ =	sdelay $0x4  }
0x80: {  	v0 =	vshra.s32 v0, $0x5  }
0x81: {  	s11 =	rddreg [dreg:$0x13];
	[tilespmem:$0x8060] =	vst v0  }
0x82: {  	v0 =	vld [tilespmem:s11+$0x0];
	_ =	sdelay $0x4  }
0x83: {  	v0 =	vshra.s32 v0, $0x5  }
0x84: {  	s9 =	smov.u32 s4;
	[tilespmem:$0x8070] =	vst v0  }
0x85: {  	v0 =	vld [tilespmem:s9+$0x0];
	_ =	sdelay $0x4  }
0x86: {  	v0 =	vshra.s32 v0, $0x5  }
0x87: {  	s12 =	rddreg [dreg:$0x14];
	[tilespmem:$0x8080] =	vst v0  }
0x88: {  	v0 =	vld [tilespmem:s12+$0x0];
	_ =	sdelay $0x4  }
0x89: {  	v0 =	vshra.s32 v0, $0x5  }
0x8a: {  	s13 =	rddreg [dreg:$0x15];
	[tilespmem:$0x8090] =	vst v0  }
0x8b: {  	v0 =	vld [tilespmem:s13+$0x0];
	_ =	sdelay $0x4  }
0x8c: {  	v0 =	vshra.s32 v0, $0x5  }
0x8d: {  	s14 =	rddreg [dreg:$0x16];
	[tilespmem:$0x80A0] =	vst v0  }
0x8e: {  	v0 =	vld [tilespmem:s14+$0x0];
	_ =	sdelay $0x4  }
0x8f: {  	v0 =	vshra.s32 v0, $0x5  }
0x90: {  	s15 =	rddreg [dreg:$0x17];
	[tilespmem:$0x80B0] =	vst v0  }
0x91: {  	v0 =	vld [tilespmem:s15+$0x0];
	_ =	sdelay $0x4  }
0x92: {  	v0 =	vshra.s32 v0, $0x5  }
0x93: {  	s16 =	rddreg [dreg:$0x18];
	[tilespmem:$0x80C0] =	vst v0  }
0x94: {  	v0 =	vld [tilespmem:s16+$0x0];
	_ =	sdelay $0x4  }
0x95: {  	v0 =	vshra.s32 v0, $0x5  }
0x96: {  	s17 =	rddreg [dreg:$0x19];
	[tilespmem:$0x80D0] =	vst v0  }
0x97: {  	v0 =	vld [tilespmem:s17+$0x0];
	_ =	sdelay $0x4  }
0x98: {  	v0 =	vshra.s32 v0, $0x5  }
0x99: {  	s21 =	rddreg [dreg:$0x1a];
	[tilespmem:$0x80E0] =	vst v0  }
0x9a: {  	v0 =	vld [tilespmem:s21+$0x0];
	_ =	sdelay $0x4  }
0x9b: {  	v0 =	vshra.s32 v0, $0x5  }
0x9c: {  	[tilespmem:$0x80F0] =	vst v0  }
0x9d: {  	v0 =	vld [tilespmem:s7+$0x0];
	_ =	sdelay $0x4  }
0x9e: {  	v0 =	vshra.s32 v0, $0x5  }
0x9f: {  	s22 =	rddreg [dreg:$0x1b];
	[tilespmem:$0x8100] =	vst v0  }
0xa0: {  	v0 =	vld [tilespmem:s22+$0x0];
	_ =	sdelay $0x4  }
0xa1: {  	v0 =	vshra.s32 v0, $0x5  }
0xa2: {  	s23 =	rddreg [dreg:$0x1c];
	[tilespmem:$0x8110] =	vst v0  }
0xa3: {  	v0 =	vld [tilespmem:s23+$0x0];
	_ =	sdelay $0x4  }
0xa4: {  	v0 =	vshra.s32 v0, $0x5  }
0xa5: {  	s2 =	rddreg [dreg:$0x1d];
	[tilespmem:$0x8120] =	vst v0  }
0xa6: {  	v0 =	vld [tilespmem:s2+$0x0];
	_ =	sdelay $0x3  }
0xa7: {  	s4 =	sld [smem:$0x7F2]  }
0xa8: {  	v0 =	vshra.s32 v0, $0x5  }
0xa9: {  	[tilespmem:$0x8130] =	vst v0  }
0xaa: {  	v0 =	vld [tilespmem:s4+$0x0];
	_ =	sdelay $0x3  }
0xab: {  	s5 =	sld [smem:$0x7F3]  }
0xac: {  	v0 =	vshra.s32 v0, $0x5  }
0xad: {  	[tilespmem:$0x8140] =	vst v0  }
0xae: {  	v0 =	vld [tilespmem:s5+$0x0];
	_ =	sdelay $0x3  }
0xaf: {  	s6 =	sld [smem:$0x7F4]  }
0xb0: {  	v0 =	vshra.s32 v0, $0x5  }
0xb1: {  	[tilespmem:$0x8150] =	vst v0  }
0xb2: {  	v0 =	vld [tilespmem:s6+$0x0];
	_ =	sdelay $0x3  }
0xb3: {  	s7 =	sld [smem:$0x7F5]  }
0xb4: {  	v0 =	vshra.s32 v0, $0x5  }
0xb5: {  	[tilespmem:$0x8160] =	vst v0  }
0xb6: {  	v0 =	vld [tilespmem:s7+$0x0];
	_ =	sdelay $0x4  }
0xb7: {  	v0 =	vshra.s32 v0, $0x5  }
0xb8: {  	[tilespmem:$0x8170] =	vst v0  }
0xb9: {  	v0 =	vld [tilespmem:s8+$0x0];
	_ =	sdelay $0x3  }
0xba: {  	s8 =	sld [smem:$0x7F6]  }
0xbb: {  	v0 =	vshra.s32 v0, $0x5  }
0xbc: {  	[tilespmem:$0x8180] =	vst v0  }
0xbd: {  	v0 =	vld [tilespmem:s8+$0x0];
	_ =	sdelay $0x3  }
0xbe: {  	s3 =	sld [smem:$0x7F7]  }
0xbf: {  	v0 =	vshra.s32 v0, $0x5  }
0xc0: {  	[tilespmem:$0x8190] =	vst v0  }
0xc1: {  	v0 =	vld [tilespmem:s3+$0x0];
	_ =	sdelay $0x3  }
0xc2: {  	s9 =	sld [smem:$0x7F8]  }
0xc3: {  	v0 =	vshra.s32 v0, $0x5  }
0xc4: {  	[tilespmem:$0x81A0] =	vst v0  }
0xc5: {  	v0 =	vld [tilespmem:s9+$0x0];
	_ =	sdelay $0x3  }
0xc6: {  	s25 =	sld [smem:$0x7F9]  }
0xc7: {  	v0 =	vshra.s32 v0, $0x5  }
0xc8: {  	[tilespmem:$0x81B0] =	vst v0  }
0xc9: {  	v0 =	vld [tilespmem:s25+$0x0];
	_ =	sdelay $0x3  }
0xca: {  	s25 =	sld [smem:$0x7FA]  }
0xcb: {  	v0 =	vshra.s32 v0, $0x5  }
0xcc: {  	[tilespmem:$0x81C0] =	vst v0  }
0xcd: {  	v0 =	vld [tilespmem:s25+$0x0];
	_ =	sdelay $0x3  }
0xce: {  	s26 =	sld [smem:$0x7FB]  }
0xcf: {  	v0 =	vshra.s32 v0, $0x5  }
0xd0: {  	[tilespmem:$0x81D0] =	vst v0  }
0xd1: {  	v0 =	vld [tilespmem:s26+$0x0];
	_ =	sdelay $0x3  }
0xd2: {  	s1 =	sld [smem:$0x7FD]  }
0xd3: {  	v0 =	vshra.s32 v0, $0x5  }
0xd4: {  	[tilespmem:$0x81E0] =	vst v0  }
0xd5: {  	v0 =	vld [tilespmem:s1+$0x0];
	_ =	sdelay $0x3  }
0xd6: {  	s26 =	sld [smem:$0x7EF]  }
0xd7: {  	v0 =	vshra.s32 v0, $0x5  }
0xd8: {  	s19 =	simm.s32 $0x8000;
	s1 =	simm.s32 $0x8200;
	[tilespmem:$0x81F0] =	vst v0  }
0xd9: {  	[tilespmem:s1], [sflag:$0x1] =	stream.indirect.gather [hbm4b:s26+s10], $0x80, s19, s10, $0xb8;
	[tilespmem:$0x18200] =	vst v63  }
0xda: {  	s0 =	simm.s32 $0xC200;
	s19 =	simm.s32 $0x8080  }
0xdb: {  	[tilespmem:s0], [sflag:$0x1] =	stream.indirect.gather [hbm4b:s26+s10], $0x80, s19, s10, $0xb8;
	[tilespmem:$0x18200] =	vst v63  }
0xdc: {  	s19 =	simm.s32 $0x8100;
	s0 =	simm.s32 $0x10200  }
0xdd: {  	[tilespmem:s0], [sflag:$0x1] =	stream.indirect.gather [hbm4b:s26+s10], $0x80, s19, s10, $0xb8;
	[tilespmem:$0x18200] =	vst v63  }
0xde: {  	s19 =	simm.s32 $0x8180;
	s0 =	simm.s32 $0x14200  }
0xdf: {  	[tilespmem:s0], [sflag:$0x1] =	stream.indirect.gather [hbm4b:s26+s10], $0x80, s19, s10, $0xb8;
	[tilespmem:$0x18200] =	vst v63  }
0xe0: {  	_ =	swait.ge [sflag:s24], $0x4000  }
0xe1: {  	[sflag:s24] =	ssyncset.done $0x0  }
0xe2: {  	[sflag:s24] =	ssyncadd.s32 $0xFFFFC000  }
0xe3: {  	_ =	swait.ge [sflag:s24], $0x4000  }
0xe4: {  	[sflag:s24] =	ssyncset.done $0x0  }
0xe5: {  	[sflag:s24] =	ssyncadd.s32 $0xFFFFC000  }
0xe6: {  	_ =	swait.ge [sflag:s24], $0x4000  }
0xe7: {  	[sflag:s24] =	ssyncset.done $0x0  }
0xe8: {  	[sflag:s24] =	ssyncadd.s32 $0xFFFFC000  }
0xe9: {  	_ =	swait.ge [sflag:s24], $0x4000  }
0xea: {  	[sflag:s24] =	ssyncset.done $0x0  }
0xeb: {  	s0 =	simm.s32 $0x0;
	s26 =	rddreg [dreg:$0xa];
	[sflag:s24] =	ssyncadd.s32 $0xFFFFC000  }
0xec: {  	[hbm4b:s26+s0] =	stream.linear.scatter [tilespmem:s1], [sflag:$0x2], $0x10000, $0x38;
	[tilespmem:$0x18200] =	vst v63  }
0xed: {  	_ =	swait.ge [sflag:s18], $0x10000  }
0xee: {  	[sflag:s18] =	ssyncset.done $0x0  }
0xef: {  	[sflag:s18] =	ssyncadd.s32 $0xFFFF0000  }
0xf0: {  	v63 =	vld [tilespmem:s20+$0x4000];
	_ =	sdelay $0x4  }
0xf1: {  	v0 =	vshra.s32 v63, $0x5  }
0xf2: {  	[tilespmem:$0x8000] =	vst v0  }
0xf3: {  	v0 =	vld [tilespmem:s28+$0x4000];
	_ =	sdelay $0x4  }
0xf4: {  	v0 =	vshra.s32 v0, $0x5  }
0xf5: {  	[tilespmem:$0x8010] =	vst v0  }
0xf6: {  	v0 =	vld [tilespmem:s29+$0x4000];
	_ =	sdelay $0x4  }
0xf7: {  	v0 =	vshra.s32 v0, $0x5  }
0xf8: {  	[tilespmem:$0x8020] =	vst v0  }
0xf9: {  	v0 =	vld [tilespmem:s30+$0x4000];
	_ =	sdelay $0x4  }
0xfa: {  	v0 =	vshra.s32 v0, $0x5  }
0xfb: {  	[tilespmem:$0x8030] =	vst v0  }
0xfc: {  	v0 =	vld [tilespmem:s31+$0x4000];
	_ =	sdelay $0x4  }
0xfd: {  	v0 =	vshra.s32 v0, $0x5  }
0xfe: {  	s31 =	rddreg [dreg:$0x11];
	[tilespmem:$0x8040] =	vst v0  }
0xff: {  	v0 =	vld [tilespmem:s31+$0x4000];
	_ =	sdelay $0x4  }
0x100: {  	v0 =	vshra.s32 v0, $0x5  }
0x101: {  	s1 =	rddreg [dreg:$0x12];
	[tilespmem:$0x8050] =	vst v0  }
0x102: {  	v0 =	vld [tilespmem:s1+$0x4000];
	_ =	sdelay $0x4  }
0x103: {  	v0 =	vshra.s32 v0, $0x5  }
0x104: {  	[tilespmem:$0x8060] =	vst v0  }
0x105: {  	v0 =	vld [tilespmem:s11+$0x4000];
	_ =	sdelay $0x4  }
0x106: {  	v0 =	vshra.s32 v0, $0x5  }
0x107: {  	s11 =	rddreg [dreg:$0x1f];
	[tilespmem:$0x8070] =	vst v0  }
0x108: {  	v0 =	vld [tilespmem:s11+$0x4000];
	_ =	sdelay $0x4  }
0x109: {  	v0 =	vshra.s32 v0, $0x5  }
0x10a: {  	[tilespmem:$0x8080] =	vst v0  }
0x10b: {  	v0 =	vld [tilespmem:s12+$0x4000];
	_ =	sdelay $0x4  }
0x10c: {  	v0 =	vshra.s32 v0, $0x5  }
0x10d: {  	[tilespmem:$0x8090] =	vst v0  }
0x10e: {  	v0 =	vld [tilespmem:s13+$0x4000];
	_ =	sdelay $0x4  }
0x10f: {  	v0 =	vshra.s32 v0, $0x5  }
0x110: {  	[tilespmem:$0x80A0] =	vst v0  }
0x111: {  	v0 =	vld [tilespmem:s14+$0x4000];
	_ =	sdelay $0x4  }
0x112: {  	v0 =	vshra.s32 v0, $0x5  }
0x113: {  	[tilespmem:$0x80B0] =	vst v0  }
0x114: {  	v0 =	vld [tilespmem:s15+$0x4000];
	_ =	sdelay $0x4  }
0x115: {  	v0 =	vshra.s32 v0, $0x5  }
0x116: {  	[tilespmem:$0x80C0] =	vst v0  }
0x117: {  	v0 =	vld [tilespmem:s16+$0x4000];
	_ =	sdelay $0x4  }
0x118: {  	v0 =	vshra.s32 v0, $0x5  }
0x119: {  	[tilespmem:$0x80D0] =	vst v0  }
0x11a: {  	v0 =	vld [tilespmem:s17+$0x4000];
	_ =	sdelay $0x4  }
0x11b: {  	v0 =	vshra.s32 v0, $0x5  }
0x11c: {  	[tilespmem:$0x80E0] =	vst v0  }
0x11d: {  	v0 =	vld [tilespmem:s21+$0x4000];
	_ =	sdelay $0x3  }
0x11e: {  	s13 =	sld [smem:$0x7F1]  }
0x11f: {  	v0 =	vshra.s32 v0, $0x5  }
0x120: {  	[tilespmem:$0x80F0] =	vst v0  }
0x121: {  	v0 =	vld [tilespmem:s13+$0x4000];
	_ =	sdelay $0x4  }
0x122: {  	v0 =	vshra.s32 v0, $0x5  }
0x123: {  	[tilespmem:$0x8100] =	vst v0  }
0x124: {  	v0 =	vld [tilespmem:s22+$0x4000];
	_ =	sdelay $0x4  }
0x125: {  	v0 =	vshra.s32 v0, $0x5  }
0x126: {  	[tilespmem:$0x8110] =	vst v0  }
0x127: {  	v0 =	vld [tilespmem:s23+$0x4000];
	_ =	sdelay $0x4  }
0x128: {  	v0 =	vshra.s32 v0, $0x5  }
0x129: {  	[tilespmem:$0x8120] =	vst v0  }
0x12a: {  	v0 =	vld [tilespmem:s2+$0x4000];
	_ =	sdelay $0x4  }
0x12b: {  	v0 =	vshra.s32 v0, $0x5  }
0x12c: {  	[tilespmem:$0x8130] =	vst v0  }
0x12d: {  	v0 =	vld [tilespmem:s4+$0x4000];
	_ =	sdelay $0x4  }
0x12e: {  	v0 =	vshra.s32 v0, $0x5  }
0x12f: {  	[tilespmem:$0x8140] =	vst v0  }
0x130: {  	v0 =	vld [tilespmem:s5+$0x4000];
	_ =	sdelay $0x4  }
0x131: {  	v0 =	vshra.s32 v0, $0x5  }
0x132: {  	[tilespmem:$0x8150] =	vst v0  }
0x133: {  	v0 =	vld [tilespmem:s6+$0x4000];
	_ =	sdelay $0x4  }
0x134: {  	v0 =	vshra.s32 v0, $0x5  }
0x135: {  	[tilespmem:$0x8160] =	vst v0  }
0x136: {  	v0 =	vld [tilespmem:s7+$0x4000];
	_ =	sdelay $0x4  }
0x137: {  	v0 =	vshra.s32 v0, $0x5  }
0x138: {  	s14 =	rddreg [dreg:$0x1e];
	[tilespmem:$0x8170] =	vst v0  }
0x139: {  	v0 =	vld [tilespmem:s14+$0x4000];
	_ =	sdelay $0x4  }
0x13a: {  	v0 =	vshra.s32 v0, $0x5  }
0x13b: {  	[tilespmem:$0x8180] =	vst v0  }
0x13c: {  	v0 =	vld [tilespmem:s8+$0x4000];
	_ =	sdelay $0x4  }
0x13d: {  	v0 =	vshra.s32 v0, $0x5  }
0x13e: {  	[tilespmem:$0x8190] =	vst v0  }
0x13f: {  	v0 =	vld [tilespmem:s3+$0x4000];
	_ =	sdelay $0x4  }
0x140: {  	v0 =	vshra.s32 v0, $0x5  }
0x141: {  	[tilespmem:$0x81A0] =	vst v0  }
0x142: {  	v0 =	vld [tilespmem:s9+$0x4000];
	_ =	sdelay $0x3  }
0x143: {  	s15 =	sld [smem:$0x7F9]  }
0x144: {  	v0 =	vshra.s32 v0, $0x5  }
0x145: {  	[tilespmem:$0x81B0] =	vst v0  }
0x146: {  	v0 =	vld [tilespmem:s15+$0x4000];
	_ =	sdelay $0x4  }
0x147: {  	v0 =	vshra.s32 v0, $0x5  }
0x148: {  	[tilespmem:$0x81C0] =	vst v0  }
0x149: {  	v0 =	vld [tilespmem:s25+$0x4000];
	_ =	sdelay $0x3  }
0x14a: {  	s16 =	sld [smem:$0x7FB]  }
0x14b: {  	v0 =	vshra.s32 v0, $0x5  }
0x14c: {  	[tilespmem:$0x81D0] =	vst v0  }
0x14d: {  	v0 =	vld [tilespmem:s16+$0x4000];
	_ =	sdelay $0x3  }
0x14e: {  	s17 =	sld [smem:$0x7FD]  }
0x14f: {  	v0 =	vshra.s32 v0, $0x5  }
0x150: {  	[tilespmem:$0x81E0] =	vst v0  }
0x151: {  	v0 =	vld [tilespmem:s17+$0x4000];
	_ =	sdelay $0x3  }
0x152: {  	s20 =	sld [smem:$0x7F0]  }
0x153: {  	v0 =	vshra.s32 v0, $0x5  }
0x154: {  	s21 =	simm.s32 $0x8200;
	s22 =	simm.s32 $0x8000;
	[tilespmem:$0x81F0] =	vst v0  }
0x155: {  	[tilespmem:s21], [sflag:$0x1] =	stream.indirect.gather [hbm4b:s20+s10], $0x80, s22, s10, $0xb8;
	[tilespmem:$0x18200] =	vst v63  }
0x156: {  	s23 =	simm.s32 $0xC200;
	s25 =	simm.s32 $0x8080  }
0x157: {  	[tilespmem:s23], [sflag:$0x1] =	stream.indirect.gather [hbm4b:s20+s10], $0x80, s25, s10, $0xb8;
	[tilespmem:$0x18200] =	vst v63  }
0x158: {  	s26 =	simm.s32 $0x10200;
	s28 =	simm.s32 $0x8100  }
0x159: {  	[tilespmem:s26], [sflag:$0x1] =	stream.indirect.gather [hbm4b:s20+s10], $0x80, s28, s10, $0xb8;
	[tilespmem:$0x18200] =	vst v63  }
0x15a: {  	s19 =	simm.s32 $0x8180;
	s29 =	simm.s32 $0x14200  }
0x15b: {  	[tilespmem:s29], [sflag:$0x1] =	stream.indirect.gather [hbm4b:s20+s10], $0x80, s19, s10, $0xb8;
	[tilespmem:$0x18200] =	vst v63  }
0x15c: {  	s1 =	sld [smem:$0x7EC];
	_ =	swait.ge [sflag:s24], $0x4000  }
0x15d: {  	[sflag:s24] =	ssyncset.done $0x0  }
0x15e: {  	[sflag:s24] =	ssyncadd.s32 $0xFFFFC000  }
0x15f: {  	_ =	swait.ge [sflag:s24], $0x4000  }
0x160: {  	[sflag:s24] =	ssyncset.done $0x0  }
0x161: {  	[sflag:s24] =	ssyncadd.s32 $0xFFFFC000  }
0x162: {  	_ =	swait.ge [sflag:s24], $0x4000  }
0x163: {  	[sflag:s24] =	ssyncset.done $0x0  }
0x164: {  	[sflag:s24] =	ssyncadd.s32 $0xFFFFC000  }
0x165: {  	_ =	swait.ge [sflag:s24], $0x4000  }
0x166: {  	s31 =	simm.s32 $0x0;
	p0 =	sne.s32 s1, $0x1;
	[sflag:s24] =	ssyncset.done $0x0  }
.Ltmp0:
0x167: {  	s30 =	rddreg [dreg:$0xb];
	[sflag:s24] =	ssyncadd.s32 $0xFFFFC000;
	(pc) =	sbr.rel @p0 .LBB2_1-.Ltmp0, $4  }
0x168: {  	[hbm4b:s30+s31] =	stream.linear.scatter [tilespmem:s21], [sflag:$0x2], $0x10000, $0x38;
	[tilespmem:$0x18200] =	vst v63  }
0x169: {  	_ =	swait.ge [sflag:s18], $0x10000  }
0x16a: {  	[sflag:s18] =	ssyncset.done $0x0  }
0x16b: {  	s1 =	sadd.s32 $0xFFFFFFFF, s1;
	[sflag:s18] =	ssyncadd.s32 $0xFFFF0000  }
0x16c: {  	_ =	sfence.sel $0x180000  }
0x16d: {  	[bflag:$0x0] =	sbarrier.arrive $0xFFFF  }
0x16e: {  	_ =	strace $0x90000047  }
0x16f: {  	s0 =	stileid.u32;
	[bflag:$0x2] =	sbarrier.arrive $0xFFFF  }
0x170: {  	p0 =	sne.s32 s0, $0x0;
	s0 =	rddreg [dreg:$0x1]  }
0x171: {  	s0 =	sadd.s32 @!p0 $0x100000, s0  }
0x172: {  	[sflag:s0] =	ssyncadd.tile.s32 @!p0 $0x1;
	_ =	shalt  }
.Lfunc_end2:
_tile_overlayer_lowered:
.L_overlay_start_2:
0x173: {  	(tag) =	ssettag $0x2  }
0x174: {  	s0 =	rddreg [dreg:$0x0];
	s2 =	stileid.u32  }
0x175: {  	s1 =	rddreg [dreg:$0x1];
	p0 =	sne.s32 s2, $0x0  }
0x176: {  	s3 =	rddreg [dreg:$0x2];
	[bflag:$0x3] =	sbarrier.arrive $0xFFFF;
	s2 =	simm.s32 @!p0 $0x1C02  }
0x177: {  	[timem:s3], [sflag:s2] =	dma.local @!p0 [hbm:s0], s1  }
0x178: {  	s0 =	simm.s32 @!p0 $0x2  }
0x179: {  	_ =	swait.ge @!p0 [sflag:s0], s1  }
0x17a: {  	s1 =	ssub.s32 @!p0 $0x0, s1;
	[sflag:s0] =	ssyncset.done @!p0 $0x0  }
0x17b: {  	[sflag:s0] =	ssyncadd.s32 @!p0 s1  }
0x17c: {  	[bflag:$0x3] =	sbarrier.arrive $0xFFFF  }
0x17d: {  	_ =	shalt  }

</sc_bundles>
